<compile_context>
chip_gen: v7x
topology: tpu7x:2x2x1
jax: 0.10.2.dev20260603
libtpu: 0.0.44.dev20260713+nightly
codegen_flags: <defaults>
</compile_context>

<pallas_src>
import functools

import jax
import jax.numpy as jnp
from jax import lax
from jax.experimental import pallas as pl
from jax.experimental.pallas import tpu as pltpu
from jax.experimental.pallas import tpu_sc as plsc

_N = 10000
_E = 320000
_D = 128
_CLS = 40

_NC = 2
_NS = 16
_NW = _NC * _NS
_EPW = _E // _NW
_CH = 125
_NCHUNK = _EPW // _CH
_RPS = 632
_RPS_LAST = _N - 15 * _RPS

_BLK = 5000


_sc_mesh = plsc.VectorSubcoreMesh(core_axis_name="c", subcore_axis_name="s")


@functools.partial(
    pl.kernel,
    out_type=jax.ShapeDtypeStruct((_NC, _N, _D), jnp.float32),
    mesh=_sc_mesh,
    scratch_types=[
        pltpu.VMEM((_NCHUNK, _CH), jnp.int32),
        pltpu.VMEM((_NCHUNK, _CH), jnp.int32),
        pltpu.VMEM((_CH, _D), jnp.float32),
        pltpu.VMEM_SHARED((_N, _D), jnp.float32),
    ],
)
def _aggregate(h_hbm, src_hbm, dst_hbm, zero_hbm, out_hbm,
               src_v, dst_v, rows_v, acc_sh):
    cid = lax.axis_index("c")
    sid = lax.axis_index("s")
    w = sid * _NC + cid
    row0 = pl.multiple_of(sid * _RPS, 8)

    @pl.when(sid < _NS - 1)
    def _():
        pltpu.sync_copy(zero_hbm.at[pl.ds(row0, _RPS)],
                        acc_sh.at[pl.ds(row0, _RPS)])

    @pl.when(sid == _NS - 1)
    def _():
        pltpu.sync_copy(zero_hbm.at[pl.ds(15 * _RPS, _RPS_LAST)],
                        acc_sh.at[pl.ds(15 * _RPS, _RPS_LAST)])

    pltpu.sync_copy(src_hbm.at[w], src_v)
    pltpu.sync_copy(dst_hbm.at[w], dst_v)
    plsc.subcore_barrier()

    @pl.loop(0, _NCHUNK)
    def _(j):
        pltpu.sync_copy(h_hbm.at[src_v.at[j]], rows_v)
        pltpu.sync_copy(rows_v, acc_sh.at[dst_v.at[j]], add=True)

    plsc.subcore_barrier()

    @pl.when(sid < _NS - 1)
    def _():
        pltpu.sync_copy(acc_sh.at[pl.ds(row0, _RPS)],
                        out_hbm.at[cid, pl.ds(row0, _RPS)])

    @pl.when(sid == _NS - 1)
    def _():
        pltpu.sync_copy(acc_sh.at[pl.ds(15 * _RPS, _RPS_LAST)],
                        out_hbm.at[cid, pl.ds(15 * _RPS, _RPS_LAST)])


def _in_body(x_ref, w_ref, b_ref, o_ref):
    o_ref[...] = jnp.maximum(
        jnp.dot(x_ref[...], w_ref[...], preferred_element_type=jnp.float32)
        + b_ref[...], 0.0)


def _mm_in(x, w, b):
    return pl.pallas_call(
        _in_body,
        grid=(_N // _BLK,),
        in_specs=[
            pl.BlockSpec((_BLK, _D), lambda i: (i, 0)),
            pl.BlockSpec((_D, _D), lambda i: (0, 0)),
            pl.BlockSpec((1, _D), lambda i: (0, 0)),
        ],
        out_specs=pl.BlockSpec((_BLK, _D), lambda i: (i, 0)),
        out_shape=jax.ShapeDtypeStruct((_N, _D), jnp.float32),
    )(x, w, b)


def _layer_body(h_ref, p0_ref, p1_ref, w_ref, b_ref, o_ref):
    s = h_ref[...] + p0_ref[0] + p1_ref[0]
    o_ref[...] = jnp.maximum(
        jnp.dot(s, w_ref[...], preferred_element_type=jnp.float32)
        + b_ref[...], 0.0)


def _layer(h, p, w, b):
    return pl.pallas_call(
        _layer_body,
        grid=(_N // _BLK,),
        in_specs=[
            pl.BlockSpec((_BLK, _D), lambda i: (i, 0)),
            pl.BlockSpec((1, _BLK, _D), lambda i: (0, i, 0)),
            pl.BlockSpec((1, _BLK, _D), lambda i: (1, i, 0)),
            pl.BlockSpec((_D, _D), lambda i: (0, 0)),
            pl.BlockSpec((1, _D), lambda i: (0, 0)),
        ],
        out_specs=pl.BlockSpec((_BLK, _D), lambda i: (i, 0)),
        out_shape=jax.ShapeDtypeStruct((_N, _D), jnp.float32),
    )(h, p, p, w, b)


def _final_body(h_ref, p0_ref, p1_ref, w3_ref, b3_ref, wc_ref, bc_ref, o_ref):
    s = h_ref[...] + p0_ref[0] + p1_ref[0]
    t = jnp.maximum(
        jnp.dot(s, w3_ref[...], preferred_element_type=jnp.float32)
        + b3_ref[...], 0.0)
    o_ref[...] = (jnp.dot(t, wc_ref[...], preferred_element_type=jnp.float32)
                  + bc_ref[...])


def _final(h, p, w3, b3, wc, bc):
    return pl.pallas_call(
        _final_body,
        grid=(_N // _BLK,),
        in_specs=[
            pl.BlockSpec((_BLK, _D), lambda i: (i, 0)),
            pl.BlockSpec((1, _BLK, _D), lambda i: (0, i, 0)),
            pl.BlockSpec((1, _BLK, _D), lambda i: (1, i, 0)),
            pl.BlockSpec((_D, _D), lambda i: (0, 0)),
            pl.BlockSpec((1, _D), lambda i: (0, 0)),
            pl.BlockSpec((_D, _CLS), lambda i: (0, 0)),
            pl.BlockSpec((1, _CLS), lambda i: (0, 0)),
        ],
        out_specs=pl.BlockSpec((_BLK, _CLS), lambda i: (i, 0)),
        out_shape=jax.ShapeDtypeStruct((_N, _CLS), jnp.float32),
    )(h, p, p, w3, b3, wc, bc)


def kernel(x, edge_index, W_in, b_in, W1, b1, W2, b2, W3, b3, W_cls, b_cls):
    ei = edge_index.astype(jnp.int32)
    src = ei[0].reshape(_NW, _NCHUNK, _CH)
    dst = ei[1].reshape(_NW, _NCHUNK, _CH)
    zero = jnp.zeros((_N, _D), jnp.float32)

    h = _mm_in(x, W_in, b_in.reshape(1, _D))
    for w_l, b_l in ((W1, b1), (W2, b2)):
        p = _aggregate(h, src, dst, zero)
        h = _layer(h, p, w_l, b_l.reshape(1, _D))
    p = _aggregate(h, src, dst, zero)
    return _final(h, p, W3, b3.reshape(1, _D), W_cls, b_cls.reshape(1, _CLS))

# --- scband reference (transcript-rebuilt; emitter-appended) ---
"""Pipeline reference for scband-gnn-35716948034358 (READ-ONLY COPY).

The authoritative reference and input builder live on the scoring server;
editing this copy changes nothing except your own understanding.
"""

import jax, jax.numpy as jnp
import numpy as np

N_NODES = 10000
N_EDGES = 320000
DIM = 128
HIDDEN = 128
NUM_CLASSES = 40
K_LAYERS = 3


def setup_inputs(seed: int = 0) -> dict:
    key = jax.random.key(seed)
    ks = jax.random.split(key, 12)
    x = jax.random.normal(ks[0], (N_NODES, DIM), dtype=jnp.float32)
    edge_index = jax.random.randint(ks[1], (2, N_EDGES), 0, N_NODES, dtype=jnp.int64)
    s = 1.0 / np.sqrt(DIM)
    W_in = jax.random.uniform(ks[2], (DIM, HIDDEN), minval=-s, maxval=s, dtype=jnp.float32)
    b_in = jax.random.uniform(ks[3], (HIDDEN,), minval=-s, maxval=s, dtype=jnp.float32)
    sh = 1.0 / np.sqrt(HIDDEN)
    W1 = jax.random.uniform(ks[4], (HIDDEN, HIDDEN), minval=-sh, maxval=sh, dtype=jnp.float32)
    b1 = jax.random.uniform(ks[5], (HIDDEN,), minval=-sh, maxval=sh, dtype=jnp.float32)
    W2 = jax.random.uniform(ks[6], (HIDDEN, HIDDEN), minval=-sh, maxval=sh, dtype=jnp.float32)
    b2 = jax.random.uniform(ks[7], (HIDDEN,), minval=-sh, maxval=sh, dtype=jnp.float32)
    W3 = jax.random.uniform(ks[8], (HIDDEN, HIDDEN), minval=-sh, maxval=sh, dtype=jnp.float32)
    b3 = jax.random.uniform(ks[9], (HIDDEN,), minval=-sh, maxval=sh, dtype=jnp.float32)
    W_cls = jax.random.uniform(ks[10], (HIDDEN, NUM_CLASSES), minval=-sh, maxval=sh, dtype=jnp.float32)
    b_cls = jax.random.uniform(ks[11], (NUM_CLASSES,), minval=-sh, maxval=sh, dtype=jnp.float32)
    return {"x": x, "edge_index": edge_index, "W_in": W_in, "b_in": b_in,
            "W1": W1, "b1": b1, "W2": W2, "b2": b2, "W3": W3, "b3": b3,
            "W_cls": W_cls, "b_cls": b_cls}


def _gnn_layer(h, src, dst, W, b):
    # agg.scatter_add_(0, dst, h[src])
    msgs = jnp.take(h, src, axis=0)
    agg = jax.ops.segment_sum(msgs, dst, num_segments=N_NODES)
    # dropout is a no-op in eval mode
    return jax.nn.relu((h + agg) @ W + b)


def reference(x, edge_index, W_in, b_in, W1, b1, W2, b2, W3, b3, W_cls, b_cls):
    src = edge_index[0]
    dst = edge_index[1]
    h = jax.nn.relu(x @ W_in + b_in)  # dropout no-op in eval
    h = _gnn_layer(h, src, dst, W1, b1)
    h = _gnn_layer(h, src, dst, W2, b2)
    h = _gnn_layer(h, src, dst, W3, b3)
    return h @ W_cls + b_cls

if __name__ == "__main__":
    import jax
    _d = setup_inputs()
    print(jax.jit(kernel)(*tuple(_d.values())))

</pallas_src>

<mosaic_0001>
#map = affine_map<(d0, d1) -> (0, 0)>
#map1 = affine_map<(d0, d1) -> (0, 0, 0)>
module attributes {stable_mosaic.version = 14 : i64} {
  func.func @_aggregate(%arg0: i32, %arg1: i32, %arg2: memref<10000x128xf32, #tpu.memory_space<hbm>>, %arg3: memref<32x80x125xi32, #tpu.memory_space<hbm>>, %arg4: memref<32x80x125xi32, #tpu.memory_space<hbm>>, %arg5: memref<10000x128xf32, #tpu.memory_space<hbm>>, %arg6: memref<2x10000x128xf32, #tpu.memory_space<hbm>>, %arg7: memref<80x125xi32, #tpu.memory_space<vmem>>, %arg8: memref<80x125xi32, #tpu.memory_space<vmem>>, %arg9: memref<125x128xf32, #tpu.memory_space<vmem>>, %arg10: memref<10000x128xf32, #tpu.memory_space<vmem_shared>>) attributes {dimension_semantics = [#tpu.dimension_semantics<core_parallel>, #tpu.dimension_semantics<subcore_parallel>], iteration_bounds = array<i64: 2, 16>, scalar_prefetch = 0 : i64, scratch_operands = 4 : i64, tpu.core_type = #tpu.core_type<sc_vector_subcore>, window_params = [{transform_indices = #map}, {transform_indices = #map1}, {transform_indices = #map1}, {transform_indices = #map}, {transform_indices = #map1}]} {
    %mul3A = arith.constant 2 : i32
    %mul3A_0 = arith.muli %arg1, %mul3A : i32
    %add3A = arith.addi %mul3A_0, %arg0 : i32
    %mul3A_1 = arith.constant 632 : i32
    %mul3A_2 = arith.muli %arg1, %mul3A_1 : i32
    %multiple_of3A = tpu.assume_multiple %mul3A_2, 8 : i32
    %lt3A = arith.constant 15 : i32
    %lt3A_3 = arith.cmpi slt, %arg1, %lt3A : i32
    %convert_element_type3A = arith.extui %lt3A_3 : i1 to i32
    %cond3A = arith.constant 0 : i32
    %cond3A_4 = arith.cmpi ne, %convert_element_type3A, %cond3A : i32
    scf.if %cond3A_4 {
      "tpu.region"() ({
        %run_scoped3A = tpu.sem_alloc : memref<!tpu.dma_semaphore, #tpu.memory_space<semaphore_mem>>
        %dma_start3A = arith.constant 0 : i32
        %dma_start3A_24 = tpu.memref_slice %arg10[%multiple_of3A, %dma_start3A] : memref<10000x128xf32, #tpu.memory_space<vmem_shared>> -> memref<632x128xf32, #tpu.memory_space<vmem_shared>>
        %dma_start3A_25 = arith.constant 0 : i32
        %dma_start3A_26 = tpu.memref_slice %arg5[%multiple_of3A, %dma_start3A_25] : memref<10000x128xf32, #tpu.memory_space<hbm>> -> memref<632x128xf32, #tpu.memory_space<hbm>>
        tpu.enqueue_dma source(%dma_start3A_26 : memref<632x128xf32, #tpu.memory_space<hbm>>) target(%dma_start3A_24 : memref<632x128xf32, #tpu.memory_space<vmem_shared>>) target_semaphore(%run_scoped3A : memref<!tpu.dma_semaphore, #tpu.memory_space<semaphore_mem>>)
        %dma_wait3A = arith.constant 0 : i32
        %dma_wait3A_27 = tpu.memref_slice %arg10[%multiple_of3A, %dma_wait3A] : memref<10000x128xf32, #tpu.memory_space<vmem_shared>> -> memref<632x128xf32, #tpu.memory_space<vmem_shared>>
        %dma_wait3A_28 = arith.constant 0 : i32
        %dma_wait3A_29 = tpu.memref_slice %arg5[%multiple_of3A, %dma_wait3A_28] : memref<10000x128xf32, #tpu.memory_space<hbm>> -> memref<632x128xf32, #tpu.memory_space<hbm>>
        tpu.wait_dma2 semaphore(%run_scoped3A : memref<!tpu.dma_semaphore, #tpu.memory_space<semaphore_mem>>) src(%dma_wait3A_29 : memref<632x128xf32, #tpu.memory_space<hbm>>) dst(%dma_wait3A_27 : memref<632x128xf32, #tpu.memory_space<vmem_shared>>)
        tpu.yield
      }) : () -> ()
    } else {
    }
    %eq3A = arith.constant 15 : i32
    %eq3A_5 = arith.cmpi eq, %arg1, %eq3A : i32
    %convert_element_type3A_6 = arith.extui %eq3A_5 : i1 to i32
    %cond3A_7 = arith.constant 0 : i32
    %cond3A_8 = arith.cmpi ne, %convert_element_type3A_6, %cond3A_7 : i32
    scf.if %cond3A_8 {
      "tpu.region"() ({
        %run_scoped3A = tpu.sem_alloc : memref<!tpu.dma_semaphore, #tpu.memory_space<semaphore_mem>>
        %dma_start3A = arith.constant 9480 : i32
        %dma_start3A_24 = arith.constant 0 : i32
        %dma_start3A_25 = tpu.memref_slice %arg10[%dma_start3A, %dma_start3A_24] : memref<10000x128xf32, #tpu.memory_space<vmem_shared>> -> memref<520x128xf32, #tpu.memory_space<vmem_shared>>
        %dma_start3A_26 = arith.constant 9480 : i32
        %dma_start3A_27 = arith.constant 0 : i32
        %dma_start3A_28 = tpu.memref_slice %arg5[%dma_start3A_26, %dma_start3A_27] : memref<10000x128xf32, #tpu.memory_space<hbm>> -> memref<520x128xf32, #tpu.memory_space<hbm>>
        tpu.enqueue_dma source(%dma_start3A_28 : memref<520x128xf32, #tpu.memory_space<hbm>>) target(%dma_start3A_25 : memref<520x128xf32, #tpu.memory_space<vmem_shared>>) target_semaphore(%run_scoped3A : memref<!tpu.dma_semaphore, #tpu.memory_space<semaphore_mem>>)
        %dma_wait3A = arith.constant 9480 : i32
        %dma_wait3A_29 = arith.constant 0 : i32
        %dma_wait3A_30 = tpu.memref_slice %arg10[%dma_wait3A, %dma_wait3A_29] : memref<10000x128xf32, #tpu.memory_space<vmem_shared>> -> memref<520x128xf32, #tpu.memory_space<vmem_shared>>
        %dma_wait3A_31 = arith.constant 9480 : i32
        %dma_wait3A_32 = arith.constant 0 : i32
        %dma_wait3A_33 = tpu.memref_slice %arg5[%dma_wait3A_31, %dma_wait3A_32] : memref<10000x128xf32, #tpu.memory_space<hbm>> -> memref<520x128xf32, #tpu.memory_space<hbm>>
        tpu.wait_dma2 semaphore(%run_scoped3A : memref<!tpu.dma_semaphore, #tpu.memory_space<semaphore_mem>>) src(%dma_wait3A_33 : memref<520x128xf32, #tpu.memory_space<hbm>>) dst(%dma_wait3A_30 : memref<520x128xf32, #tpu.memory_space<vmem_shared>>)
        tpu.yield
      }) : () -> ()
    } else {
    }
    "tpu.region"() ({
      %run_scoped3A = tpu.sem_alloc : memref<!tpu.dma_semaphore, #tpu.memory_space<semaphore_mem>>
      %dma_start3A = arith.constant 0 : i32
      %dma_start3A_24 = arith.constant 0 : i32
      %dma_start3A_25 = tpu.memref_slice %arg3[%add3A, %dma_start3A, %dma_start3A_24] : memref<32x80x125xi32, #tpu.memory_space<hbm>> -> memref<1x80x125xi32, #tpu.memory_space<hbm>>
      %dma_start3A_26 = tpu.memref_squeeze %dma_start3A_25 : memref<1x80x125xi32, #tpu.memory_space<hbm>> -> memref<80x125xi32, #tpu.memory_space<hbm>>
      %dma_start3A_27 = arith.constant 0 : i32
      %dma_start3A_28 = arith.constant 0 : i32
      %dma_start3A_29 = tpu.memref_slice %arg3[%add3A, %dma_start3A_27, %dma_start3A_28] : memref<32x80x125xi32, #tpu.memory_space<hbm>> -> memref<1x80x125xi32, #tpu.memory_space<hbm>>
      %dma_start3A_30 = tpu.memref_squeeze %dma_start3A_29 : memref<1x80x125xi32, #tpu.memory_space<hbm>> -> memref<80x125xi32, #tpu.memory_space<hbm>>
      tpu.enqueue_dma source(%dma_start3A_30 : memref<80x125xi32, #tpu.memory_space<hbm>>) target(%arg7 : memref<80x125xi32, #tpu.memory_space<vmem>>) target_semaphore(%run_scoped3A : memref<!tpu.dma_semaphore, #tpu.memory_space<semaphore_mem>>)
      %dma_wait3A = arith.constant 0 : i32
      %dma_wait3A_31 = arith.constant 0 : i32
      %dma_wait3A_32 = tpu.memref_slice %arg3[%add3A, %dma_wait3A, %dma_wait3A_31] : memref<32x80x125xi32, #tpu.memory_space<hbm>> -> memref<1x80x125xi32, #tpu.memory_space<hbm>>
      %dma_wait3A_33 = tpu.memref_squeeze %dma_wait3A_32 : memref<1x80x125xi32, #tpu.memory_space<hbm>> -> memref<80x125xi32, #tpu.memory_space<hbm>>
      %dma_wait3A_34 = arith.constant 0 : i32
      %dma_wait3A_35 = arith.constant 0 : i32
      %dma_wait3A_36 = tpu.memref_slice %arg3[%add3A, %dma_wait3A_34, %dma_wait3A_35] : memref<32x80x125xi32, #tpu.memory_space<hbm>> -> memref<1x80x125xi32, #tpu.memory_space<hbm>>
      %dma_wait3A_37 = tpu.memref_squeeze %dma_wait3A_36 : memref<1x80x125xi32, #tpu.memory_space<hbm>> -> memref<80x125xi32, #tpu.memory_space<hbm>>
      tpu.wait_dma2 semaphore(%run_scoped3A : memref<!tpu.dma_semaphore, #tpu.memory_space<semaphore_mem>>) src(%dma_wait3A_37 : memref<80x125xi32, #tpu.memory_space<hbm>>) dst(%arg7 : memref<80x125xi32, #tpu.memory_space<vmem>>)
      tpu.yield
    }) : () -> ()
    "tpu.region"() ({
      %run_scoped3A = tpu.sem_alloc : memref<!tpu.dma_semaphore, #tpu.memory_space<semaphore_mem>>
      %dma_start3A = arith.constant 0 : i32
      %dma_start3A_24 = arith.constant 0 : i32
      %dma_start3A_25 = tpu.memref_slice %arg4[%add3A, %dma_start3A, %dma_start3A_24] : memref<32x80x125xi32, #tpu.memory_space<hbm>> -> memref<1x80x125xi32, #tpu.memory_space<hbm>>
      %dma_start3A_26 = tpu.memref_squeeze %dma_start3A_25 : memref<1x80x125xi32, #tpu.memory_space<hbm>> -> memref<80x125xi32, #tpu.memory_space<hbm>>
      %dma_start3A_27 = arith.constant 0 : i32
      %dma_start3A_28 = arith.constant 0 : i32
      %dma_start3A_29 = tpu.memref_slice %arg4[%add3A, %dma_start3A_27, %dma_start3A_28] : memref<32x80x125xi32, #tpu.memory_space<hbm>> -> memref<1x80x125xi32, #tpu.memory_space<hbm>>
      %dma_start3A_30 = tpu.memref_squeeze %dma_start3A_29 : memref<1x80x125xi32, #tpu.memory_space<hbm>> -> memref<80x125xi32, #tpu.memory_space<hbm>>
      tpu.enqueue_dma source(%dma_start3A_30 : memref<80x125xi32, #tpu.memory_space<hbm>>) target(%arg8 : memref<80x125xi32, #tpu.memory_space<vmem>>) target_semaphore(%run_scoped3A : memref<!tpu.dma_semaphore, #tpu.memory_space<semaphore_mem>>)
      %dma_wait3A = arith.constant 0 : i32
      %dma_wait3A_31 = arith.constant 0 : i32
      %dma_wait3A_32 = tpu.memref_slice %arg4[%add3A, %dma_wait3A, %dma_wait3A_31] : memref<32x80x125xi32, #tpu.memory_space<hbm>> -> memref<1x80x125xi32, #tpu.memory_space<hbm>>
      %dma_wait3A_33 = tpu.memref_squeeze %dma_wait3A_32 : memref<1x80x125xi32, #tpu.memory_space<hbm>> -> memref<80x125xi32, #tpu.memory_space<hbm>>
      %dma_wait3A_34 = arith.constant 0 : i32
      %dma_wait3A_35 = arith.constant 0 : i32
      %dma_wait3A_36 = tpu.memref_slice %arg4[%add3A, %dma_wait3A_34, %dma_wait3A_35] : memref<32x80x125xi32, #tpu.memory_space<hbm>> -> memref<1x80x125xi32, #tpu.memory_space<hbm>>
      %dma_wait3A_37 = tpu.memref_squeeze %dma_wait3A_36 : memref<1x80x125xi32, #tpu.memory_space<hbm>> -> memref<80x125xi32, #tpu.memory_space<hbm>>
      tpu.wait_dma2 semaphore(%run_scoped3A : memref<!tpu.dma_semaphore, #tpu.memory_space<semaphore_mem>>) src(%dma_wait3A_37 : memref<80x125xi32, #tpu.memory_space<hbm>>) dst(%arg8 : memref<80x125xi32, #tpu.memory_space<vmem>>)
      tpu.yield
    }) : () -> ()
    %barrier3A = arith.constant 0 : index
    tpu.barrier barrier_id(%barrier3A)
    %scan3A = arith.constant 0 : i32
    %scan3A_9 = arith.constant 80 : i32
    %scan3A_10 = arith.addi %scan3A, %scan3A_9 : i32
    %scan3A_11 = arith.constant 1 : i32
    scf.for %scan3A_24 = %scan3A to %scan3A_10 step %scan3A_11  : i32 {
      %mul3A_25 = arith.constant 1 : i32
      %mul3A_26 = arith.muli %scan3A_24, %mul3A_25 : i32
      %add3A_27 = arith.constant 0 : i32
      %add3A_28 = arith.addi %add3A_27, %mul3A_26 : i32
      "tpu.region"() ({
        %run_scoped3A = tpu.sem_alloc : memref<!tpu.dma_semaphore, #tpu.memory_space<semaphore_mem>>
        %dma_start3A = arith.constant 0 : i32
        %dma_start3A_29 = tpu.memref_slice %arg7[%add3A_28, %dma_start3A] : memref<80x125xi32, #tpu.memory_space<vmem>> -> memref<1x125xi32, #tpu.memory_space<vmem>>
        %dma_start3A_30 = tpu.memref_squeeze %dma_start3A_29 : memref<1x125xi32, #tpu.memory_space<vmem>> -> memref<125xi32, #tpu.memory_space<vmem>>
        %dma_start3A_31 = arith.constant 0 : i32
        %dma_start3A_32 = arith.constant 0 : i32
        %dma_start3A_33 = tpu.memref_slice %arg2[%dma_start3A_31, %dma_start3A_32] : memref<10000x128xf32, #tpu.memory_space<hbm>> -> memref<10000x128xf32, #tpu.memory_space<hbm>>
        tpu.enqueue_indirect_dma source(%dma_start3A_33 : memref<10000x128xf32, #tpu.memory_space<hbm>>) target(%arg9 : memref<125x128xf32, #tpu.memory_space<vmem>>) offsets(%dma_start3A_30 : memref<125xi32, #tpu.memory_space<vmem>>) semaphore(%run_scoped3A : memref<!tpu.dma_semaphore, #tpu.memory_space<semaphore_mem>>)
        %dma_wait3A = arith.constant 0 : i32
        %dma_wait3A_34 = tpu.memref_slice %arg7[%add3A_28, %dma_wait3A] : memref<80x125xi32, #tpu.memory_space<vmem>> -> memref<1x125xi32, #tpu.memory_space<vmem>>
        %dma_wait3A_35 = tpu.memref_squeeze %dma_wait3A_34 : memref<1x125xi32, #tpu.memory_space<vmem>> -> memref<125xi32, #tpu.memory_space<vmem>>
        %dma_wait3A_36 = arith.constant 0 : i32
        %dma_wait3A_37 = arith.constant 0 : i32
        %dma_wait3A_38 = tpu.memref_slice %arg2[%dma_wait3A_36, %dma_wait3A_37] : memref<10000x128xf32, #tpu.memory_space<hbm>> -> memref<10000x128xf32, #tpu.memory_space<hbm>>
        tpu.wait_indirect_dma semaphore(%run_scoped3A : memref<!tpu.dma_semaphore, #tpu.memory_space<semaphore_mem>>) src(%dma_wait3A_38 : memref<10000x128xf32, #tpu.memory_space<hbm>>) dst(%arg9 : memref<125x128xf32, #tpu.memory_space<vmem>>)
        tpu.yield
      }) : () -> ()
      "tpu.region"() ({
        %run_scoped3A = tpu.sem_alloc : memref<!tpu.dma_semaphore, #tpu.memory_space<semaphore_mem>>
        %dma_start3A = arith.constant 0 : i32
        %dma_start3A_29 = tpu.memref_slice %arg8[%add3A_28, %dma_start3A] : memref<80x125xi32, #tpu.memory_space<vmem>> -> memref<1x125xi32, #tpu.memory_space<vmem>>
        %dma_start3A_30 = tpu.memref_squeeze %dma_start3A_29 : memref<1x125xi32, #tpu.memory_space<vmem>> -> memref<125xi32, #tpu.memory_space<vmem>>
        %dma_start3A_31 = arith.constant 0 : i32
        %dma_start3A_32 = arith.constant 0 : i32
        %dma_start3A_33 = tpu.memref_slice %arg10[%dma_start3A_31, %dma_start3A_32] : memref<10000x128xf32, #tpu.memory_space<vmem_shared>> -> memref<10000x128xf32, #tpu.memory_space<vmem_shared>>
        tpu.enqueue_indirect_dma source(%arg9 : memref<125x128xf32, #tpu.memory_space<vmem>>) target(%dma_start3A_33 : memref<10000x128xf32, #tpu.memory_space<vmem_shared>>) offsets(%dma_start3A_30 : memref<125xi32, #tpu.memory_space<vmem>>) semaphore(%run_scoped3A : memref<!tpu.dma_semaphore, #tpu.memory_space<semaphore_mem>>) {add = true}
        %dma_wait3A = arith.constant 0 : i32
        %dma_wait3A_34 = tpu.memref_slice %arg8[%add3A_28, %dma_wait3A] : memref<80x125xi32, #tpu.memory_space<vmem>> -> memref<1x125xi32, #tpu.memory_space<vmem>>
        %dma_wait3A_35 = tpu.memref_squeeze %dma_wait3A_34 : memref<1x125xi32, #tpu.memory_space<vmem>> -> memref<125xi32, #tpu.memory_space<vmem>>
        %dma_wait3A_36 = arith.constant 0 : i32
        %dma_wait3A_37 = arith.constant 0 : i32
        %dma_wait3A_38 = tpu.memref_slice %arg10[%dma_wait3A_36, %dma_wait3A_37] : memref<10000x128xf32, #tpu.memory_space<vmem_shared>> -> memref<10000x128xf32, #tpu.memory_space<vmem_shared>>
        tpu.wait_indirect_dma semaphore(%run_scoped3A : memref<!tpu.dma_semaphore, #tpu.memory_space<semaphore_mem>>) src(%arg9 : memref<125x128xf32, #tpu.memory_space<vmem>>) dst(%dma_wait3A_38 : memref<10000x128xf32, #tpu.memory_space<vmem_shared>>)
        tpu.yield
      }) : () -> ()
    }
    %scan3A_12 = arith.constant 80 : i32
    %barrier3A_13 = arith.constant 0 : index
    tpu.barrier barrier_id(%barrier3A_13)
    %lt3A_14 = arith.constant 15 : i32
    %lt3A_15 = arith.cmpi slt, %arg1, %lt3A_14 : i32
    %convert_element_type3A_16 = arith.extui %lt3A_15 : i1 to i32
    %cond3A_17 = arith.constant 0 : i32
    %cond3A_18 = arith.cmpi ne, %convert_element_type3A_16, %cond3A_17 : i32
    scf.if %cond3A_18 {
      "tpu.region"() ({
        %run_scoped3A = tpu.sem_alloc : memref<!tpu.dma_semaphore, #tpu.memory_space<semaphore_mem>>
        %dma_start3A = arith.constant 0 : i32
        %dma_start3A_24 = tpu.memref_slice %arg6[%arg0, %multiple_of3A, %dma_start3A] : memref<2x10000x128xf32, #tpu.memory_space<hbm>> -> memref<1x632x128xf32, #tpu.memory_space<hbm>>
        %dma_start3A_25 = tpu.memref_squeeze %dma_start3A_24 : memref<1x632x128xf32, #tpu.memory_space<hbm>> -> memref<632x128xf32, #tpu.memory_space<hbm>>
        %dma_start3A_26 = arith.constant 0 : i32
        %dma_start3A_27 = tpu.memref_slice %arg10[%multiple_of3A, %dma_start3A_26] : memref<10000x128xf32, #tpu.memory_space<vmem_shared>> -> memref<632x128xf32, #tpu.memory_space<vmem_shared>>
        tpu.enqueue_dma source(%dma_start3A_27 : memref<632x128xf32, #tpu.memory_space<vmem_shared>>) target(%dma_start3A_25 : memref<632x128xf32, #tpu.memory_space<hbm>>) target_semaphore(%run_scoped3A : memref<!tpu.dma_semaphore, #tpu.memory_space<semaphore_mem>>)
        %dma_wait3A = arith.constant 0 : i32
        %dma_wait3A_28 = tpu.memref_slice %arg6[%arg0, %multiple_of3A, %dma_wait3A] : memref<2x10000x128xf32, #tpu.memory_space<hbm>> -> memref<1x632x128xf32, #tpu.memory_space<hbm>>
        %dma_wait3A_29 = tpu.memref_squeeze %dma_wait3A_28 : memref<1x632x128xf32, #tpu.memory_space<hbm>> -> memref<632x128xf32, #tpu.memory_space<hbm>>
        %dma_wait3A_30 = arith.constant 0 : i32
        %dma_wait3A_31 = tpu.memref_slice %arg10[%multiple_of3A, %dma_wait3A_30] : memref<10000x128xf32, #tpu.memory_space<vmem_shared>> -> memref<632x128xf32, #tpu.memory_space<vmem_shared>>
        tpu.wait_dma2 semaphore(%run_scoped3A : memref<!tpu.dma_semaphore, #tpu.memory_space<semaphore_mem>>) src(%dma_wait3A_31 : memref<632x128xf32, #tpu.memory_space<vmem_shared>>) dst(%dma_wait3A_29 : memref<632x128xf32, #tpu.memory_space<hbm>>)
        tpu.yield
      }) : () -> ()
    } else {
    }
    %eq3A_19 = arith.constant 15 : i32
    %eq3A_20 = arith.cmpi eq, %arg1, %eq3A_19 : i32
    %convert_element_type3A_21 = arith.extui %eq3A_20 : i1 to i32
    %cond3A_22 = arith.constant 0 : i32
    %cond3A_23 = arith.cmpi ne, %convert_element_type3A_21, %cond3A_22 : i32
    scf.if %cond3A_23 {
      "tpu.region"() ({
        %run_scoped3A = tpu.sem_alloc : memref<!tpu.dma_semaphore, #tpu.memory_space<semaphore_mem>>
        %dma_start3A = arith.constant 9480 : i32
        %dma_start3A_24 = arith.constant 0 : i32
        %dma_start3A_25 = tpu.memref_slice %arg6[%arg0, %dma_start3A, %dma_start3A_24] : memref<2x10000x128xf32, #tpu.memory_space<hbm>> -> memref<1x520x128xf32, #tpu.memory_space<hbm>>
        %dma_start3A_26 = tpu.memref_squeeze %dma_start3A_25 : memref<1x520x128xf32, #tpu.memory_space<hbm>> -> memref<520x128xf32, #tpu.memory_space<hbm>>
        %dma_start3A_27 = arith.constant 9480 : i32
        %dma_start3A_28 = arith.constant 0 : i32
        %dma_start3A_29 = tpu.memref_slice %arg10[%dma_start3A_27, %dma_start3A_28] : memref<10000x128xf32, #tpu.memory_space<vmem_shared>> -> memref<520x128xf32, #tpu.memory_space<vmem_shared>>
        tpu.enqueue_dma source(%dma_start3A_29 : memref<520x128xf32, #tpu.memory_space<vmem_shared>>) target(%dma_start3A_26 : memref<520x128xf32, #tpu.memory_space<hbm>>) target_semaphore(%run_scoped3A : memref<!tpu.dma_semaphore, #tpu.memory_space<semaphore_mem>>)
        %dma_wait3A = arith.constant 9480 : i32
        %dma_wait3A_30 = arith.constant 0 : i32
        %dma_wait3A_31 = tpu.memref_slice %arg6[%arg0, %dma_wait3A, %dma_wait3A_30] : memref<2x10000x128xf32, #tpu.memory_space<hbm>> -> memref<1x520x128xf32, #tpu.memory_space<hbm>>
        %dma_wait3A_32 = tpu.memref_squeeze %dma_wait3A_31 : memref<1x520x128xf32, #tpu.memory_space<hbm>> -> memref<520x128xf32, #tpu.memory_space<hbm>>
        %dma_wait3A_33 = arith.constant 9480 : i32
        %dma_wait3A_34 = arith.constant 0 : i32
        %dma_wait3A_35 = tpu.memref_slice %arg10[%dma_wait3A_33, %dma_wait3A_34] : memref<10000x128xf32, #tpu.memory_space<vmem_shared>> -> memref<520x128xf32, #tpu.memory_space<vmem_shared>>
        tpu.wait_dma2 semaphore(%run_scoped3A : memref<!tpu.dma_semaphore, #tpu.memory_space<semaphore_mem>>) src(%dma_wait3A_35 : memref<520x128xf32, #tpu.memory_space<vmem_shared>>) dst(%dma_wait3A_32 : memref<520x128xf32, #tpu.memory_space<hbm>>)
        tpu.yield
      }) : () -> ()
    } else {
    }
    return
  }
}

#map = affine_map<(d0, d1) -> (0, 0)>
#map1 = affine_map<(d0, d1) -> (0, 0, 0)>
module attributes {stable_mosaic.version = 14 : i64} {
  func.func @_aggregate(%arg0: i32, %arg1: i32, %arg2: memref<10000x128xf32, #tpu.memory_space<hbm>>, %arg3: memref<32x80x125xi32, #tpu.memory_space<hbm>>, %arg4: memref<32x80x125xi32, #tpu.memory_space<hbm>>, %arg5: memref<10000x128xf32, #tpu.memory_space<hbm>>, %arg6: memref<2x10000x128xf32, #tpu.memory_space<hbm>>, %arg7: memref<80x125xi32, #tpu.memory_space<vmem>>, %arg8: memref<80x125xi32, #tpu.memory_space<vmem>>, %arg9: memref<125x128xf32, #tpu.memory_space<vmem>>, %arg10: memref<10000x128xf32, #tpu.memory_space<vmem_shared>>) attributes {dimension_semantics = [#tpu.dimension_semantics<core_parallel>, #tpu.dimension_semantics<subcore_parallel>], iteration_bounds = array<i64: 2, 16>, scalar_prefetch = 0 : i64, scratch_operands = 4 : i64, tpu.core_type = #tpu.core_type<sc_vector_subcore>, window_params = [{transform_indices = #map}, {transform_indices = #map1}, {transform_indices = #map1}, {transform_indices = #map}, {transform_indices = #map1}]} {
    %mul3A = arith.constant 2 : i32
    %mul3A_0 = arith.muli %arg1, %mul3A : i32
    %add3A = arith.addi %mul3A_0, %arg0 : i32
    %mul3A_1 = arith.constant 632 : i32
    %mul3A_2 = arith.muli %arg1, %mul3A_1 : i32
    %multiple_of3A = tpu.assume_multiple %mul3A_2, 8 : i32
    %lt3A = arith.constant 15 : i32
    %lt3A_3 = arith.cmpi slt, %arg1, %lt3A : i32
    %convert_element_type3A = arith.extui %lt3A_3 : i1 to i32
    %cond3A = arith.constant 0 : i32
    %cond3A_4 = arith.cmpi ne, %convert_element_type3A, %cond3A : i32
    scf.if %cond3A_4 {
      "tpu.region"() ({
        %run_scoped3A = tpu.sem_alloc : memref<!tpu.dma_semaphore, #tpu.memory_space<semaphore_mem>>
        %dma_start3A = arith.constant 0 : i32
        %dma_start3A_24 = tpu.memref_slice %arg10[%multiple_of3A, %dma_start3A] : memref<10000x128xf32, #tpu.memory_space<vmem_shared>> -> memref<632x128xf32, #tpu.memory_space<vmem_shared>>
        %dma_start3A_25 = arith.constant 0 : i32
        %dma_start3A_26 = tpu.memref_slice %arg5[%multiple_of3A, %dma_start3A_25] : memref<10000x128xf32, #tpu.memory_space<hbm>> -> memref<632x128xf32, #tpu.memory_space<hbm>>
        tpu.enqueue_dma source(%dma_start3A_26 : memref<632x128xf32, #tpu.memory_space<hbm>>) target(%dma_start3A_24 : memref<632x128xf32, #tpu.memory_space<vmem_shared>>) target_semaphore(%run_scoped3A : memref<!tpu.dma_semaphore, #tpu.memory_space<semaphore_mem>>)
        %dma_wait3A = arith.constant 0 : i32
        %dma_wait3A_27 = tpu.memref_slice %arg10[%multiple_of3A, %dma_wait3A] : memref<10000x128xf32, #tpu.memory_space<vmem_shared>> -> memref<632x128xf32, #tpu.memory_space<vmem_shared>>
        %dma_wait3A_28 = arith.constant 0 : i32
        %dma_wait3A_29 = tpu.memref_slice %arg5[%multiple_of3A, %dma_wait3A_28] : memref<10000x128xf32, #tpu.memory_space<hbm>> -> memref<632x128xf32, #tpu.memory_space<hbm>>
        tpu.wait_dma2 semaphore(%run_scoped3A : memref<!tpu.dma_semaphore, #tpu.memory_space<semaphore_mem>>) src(%dma_wait3A_29 : memref<632x128xf32, #tpu.memory_space<hbm>>) dst(%dma_wait3A_27 : memref<632x128xf32, #tpu.memory_space<vmem_shared>>)
        tpu.yield
      }) : () -> ()
    } else {
    }
    %eq3A = arith.constant 15 : i32
    %eq3A_5 = arith.cmpi eq, %arg1, %eq3A : i32
    %convert_element_type3A_6 = arith.extui %eq3A_5 : i1 to i32
    %cond3A_7 = arith.constant 0 : i32
    %cond3A_8 = arith.cmpi ne, %convert_element_type3A_6, %cond3A_7 : i32
    scf.if %cond3A_8 {
      "tpu.region"() ({
        %run_scoped3A = tpu.sem_alloc : memref<!tpu.dma_semaphore, #tpu.memory_space<semaphore_mem>>
        %dma_start3A = arith.constant 9480 : i32
        %dma_start3A_24 = arith.constant 0 : i32
        %dma_start3A_25 = tpu.memref_slice %arg10[%dma_start3A, %dma_start3A_24] : memref<10000x128xf32, #tpu.memory_space<vmem_shared>> -> memref<520x128xf32, #tpu.memory_space<vmem_shared>>
        %dma_start3A_26 = arith.constant 9480 : i32
        %dma_start3A_27 = arith.constant 0 : i32
        %dma_start3A_28 = tpu.memref_slice %arg5[%dma_start3A_26, %dma_start3A_27] : memref<10000x128xf32, #tpu.memory_space<hbm>> -> memref<520x128xf32, #tpu.memory_space<hbm>>
        tpu.enqueue_dma source(%dma_start3A_28 : memref<520x128xf32, #tpu.memory_space<hbm>>) target(%dma_start3A_25 : memref<520x128xf32, #tpu.memory_space<vmem_shared>>) target_semaphore(%run_scoped3A : memref<!tpu.dma_semaphore, #tpu.memory_space<semaphore_mem>>)
        %dma_wait3A = arith.constant 9480 : i32
        %dma_wait3A_29 = arith.constant 0 : i32
        %dma_wait3A_30 = tpu.memref_slice %arg10[%dma_wait3A, %dma_wait3A_29] : memref<10000x128xf32, #tpu.memory_space<vmem_shared>> -> memref<520x128xf32, #tpu.memory_space<vmem_shared>>
        %dma_wait3A_31 = arith.constant 9480 : i32
        %dma_wait3A_32 = arith.constant 0 : i32
        %dma_wait3A_33 = tpu.memref_slice %arg5[%dma_wait3A_31, %dma_wait3A_32] : memref<10000x128xf32, #tpu.memory_space<hbm>> -> memref<520x128xf32, #tpu.memory_space<hbm>>
        tpu.wait_dma2 semaphore(%run_scoped3A : memref<!tpu.dma_semaphore, #tpu.memory_space<semaphore_mem>>) src(%dma_wait3A_33 : memref<520x128xf32, #tpu.memory_space<hbm>>) dst(%dma_wait3A_30 : memref<520x128xf32, #tpu.memory_space<vmem_shared>>)
        tpu.yield
      }) : () -> ()
    } else {
    }
    "tpu.region"() ({
      %run_scoped3A = tpu.sem_alloc : memref<!tpu.dma_semaphore, #tpu.memory_space<semaphore_mem>>
      %dma_start3A = arith.constant 0 : i32
      %dma_start3A_24 = arith.constant 0 : i32
      %dma_start3A_25 = tpu.memref_slice %arg3[%add3A, %dma_start3A, %dma_start3A_24] : memref<32x80x125xi32, #tpu.memory_space<hbm>> -> memref<1x80x125xi32, #tpu.memory_space<hbm>>
      %dma_start3A_26 = tpu.memref_squeeze %dma_start3A_25 : memref<1x80x125xi32, #tpu.memory_space<hbm>> -> memref<80x125xi32, #tpu.memory_space<hbm>>
      %dma_start3A_27 = arith.constant 0 : i32
      %dma_start3A_28 = arith.constant 0 : i32
      %dma_start3A_29 = tpu.memref_slice %arg3[%add3A, %dma_start3A_27, %dma_start3A_28] : memref<32x80x125xi32, #tpu.memory_space<hbm>> -> memref<1x80x125xi32, #tpu.memory_space<hbm>>
      %dma_start3A_30 = tpu.memref_squeeze %dma_start3A_29 : memref<1x80x125xi32, #tpu.memory_space<hbm>> -> memref<80x125xi32, #tpu.memory_space<hbm>>
      tpu.enqueue_dma source(%dma_start3A_30 : memref<80x125xi32, #tpu.memory_space<hbm>>) target(%arg7 : memref<80x125xi32, #tpu.memory_space<vmem>>) target_semaphore(%run_scoped3A : memref<!tpu.dma_semaphore, #tpu.memory_space<semaphore_mem>>)
      %dma_wait3A = arith.constant 0 : i32
      %dma_wait3A_31 = arith.constant 0 : i32
      %dma_wait3A_32 = tpu.memref_slice %arg3[%add3A, %dma_wait3A, %dma_wait3A_31] : memref<32x80x125xi32, #tpu.memory_space<hbm>> -> memref<1x80x125xi32, #tpu.memory_space<hbm>>
      %dma_wait3A_33 = tpu.memref_squeeze %dma_wait3A_32 : memref<1x80x125xi32, #tpu.memory_space<hbm>> -> memref<80x125xi32, #tpu.memory_space<hbm>>
      %dma_wait3A_34 = arith.constant 0 : i32
      %dma_wait3A_35 = arith.constant 0 : i32
      %dma_wait3A_36 = tpu.memref_slice %arg3[%add3A, %dma_wait3A_34, %dma_wait3A_35] : memref<32x80x125xi32, #tpu.memory_space<hbm>> -> memref<1x80x125xi32, #tpu.memory_space<hbm>>
      %dma_wait3A_37 = tpu.memref_squeeze %dma_wait3A_36 : memref<1x80x125xi32, #tpu.memory_space<hbm>> -> memref<80x125xi32, #tpu.memory_space<hbm>>
      tpu.wait_dma2 semaphore(%run_scoped3A : memref<!tpu.dma_semaphore, #tpu.memory_space<semaphore_mem>>) src(%dma_wait3A_37 : memref<80x125xi32, #tpu.memory_space<hbm>>) dst(%arg7 : memref<80x125xi32, #tpu.memory_space<vmem>>)
      tpu.yield
    }) : () -> ()
    "tpu.region"() ({
      %run_scoped3A = tpu.sem_alloc : memref<!tpu.dma_semaphore, #tpu.memory_space<semaphore_mem>>
      %dma_start3A = arith.constant 0 : i32
      %dma_start3A_24 = arith.constant 0 : i32
      %dma_start3A_25 = tpu.memref_slice %arg4[%add3A, %dma_start3A, %dma_start3A_24] : memref<32x80x125xi32, #tpu.memory_space<hbm>> -> memref<1x80x125xi32, #tpu.memory_space<hbm>>
      %dma_start3A_26 = tpu.memref_squeeze %dma_start3A_25 : memref<1x80x125xi32, #tpu.memory_space<hbm>> -> memref<80x125xi32, #tpu.memory_space<hbm>>
      %dma_start3A_27 = arith.constant 0 : i32
      %dma_start3A_28 = arith.constant 0 : i32
      %dma_start3A_29 = tpu.memref_slice %arg4[%add3A, %dma_start3A_27, %dma_start3A_28] : memref<32x80x125xi32, #tpu.memory_space<hbm>> -> memref<1x80x125xi32, #tpu.memory_space<hbm>>
      %dma_start3A_30 = tpu.memref_squeeze %dma_start3A_29 : memref<1x80x125xi32, #tpu.memory_space<hbm>> -> memref<80x125xi32, #tpu.memory_space<hbm>>
      tpu.enqueue_dma source(%dma_start3A_30 : memref<80x125xi32, #tpu.memory_space<hbm>>) target(%arg8 : memref<80x125xi32, #tpu.memory_space<vmem>>) target_semaphore(%run_scoped3A : memref<!tpu.dma_semaphore, #tpu.memory_space<semaphore_mem>>)
      %dma_wait3A = arith.constant 0 : i32
      %dma_wait3A_31 = arith.constant 0 : i32
      %dma_wait3A_32 = tpu.memref_slice %arg4[%add3A, %dma_wait3A, %dma_wait3A_31] : memref<32x80x125xi32, #tpu.memory_space<hbm>> -> memref<1x80x125xi32, #tpu.memory_space<hbm>>
      %dma_wait3A_33 = tpu.memref_squeeze %dma_wait3A_32 : memref<1x80x125xi32, #tpu.memory_space<hbm>> -> memref<80x125xi32, #tpu.memory_space<hbm>>
      %dma_wait3A_34 = arith.constant 0 : i32
      %dma_wait3A_35 = arith.constant 0 : i32
      %dma_wait3A_36 = tpu.memref_slice %arg4[%add3A, %dma_wait3A_34, %dma_wait3A_35] : memref<32x80x125xi32, #tpu.memory_space<hbm>> -> memref<1x80x125xi32, #tpu.memory_space<hbm>>
      %dma_wait3A_37 = tpu.memref_squeeze %dma_wait3A_36 : memref<1x80x125xi32, #tpu.memory_space<hbm>> -> memref<80x125xi32, #tpu.memory_space<hbm>>
      tpu.wait_dma2 semaphore(%run_scoped3A : memref<!tpu.dma_semaphore, #tpu.memory_space<semaphore_mem>>) src(%dma_wait3A_37 : memref<80x125xi32, #tpu.memory_space<hbm>>) dst(%arg8 : memref<80x125xi32, #tpu.memory_space<vmem>>)
      tpu.yield
    }) : () -> ()
    %barrier3A = arith.constant 0 : index
    tpu.barrier barrier_id(%barrier3A)
    %scan3A = arith.constant 0 : i32
    %scan3A_9 = arith.constant 80 : i32
    %scan3A_10 = arith.addi %scan3A, %scan3A_9 : i32
    %scan3A_11 = arith.constant 1 : i32
    scf.for %scan3A_24 = %scan3A to %scan3A_10 step %scan3A_11  : i32 {
      %mul3A_25 = arith.constant 1 : i32
      %mul3A_26 = arith.muli %scan3A_24, %mul3A_25 : i32
      %add3A_27 = arith.constant 0 : i32
      %add3A_28 = arith.addi %add3A_27, %mul3A_26 : i32
      "tpu.region"() ({
        %run_scoped3A = tpu.sem_alloc : memref<!tpu.dma_semaphore, #tpu.memory_space<semaphore_mem>>
        %dma_start3A = arith.constant 0 : i32
        %dma_start3A_29 = tpu.memref_slice %arg7[%add3A_28, %dma_start3A] : memref<80x125xi32, #tpu.memory_space<vmem>> -> memref<1x125xi32, #tpu.memory_space<vmem>>
        %dma_start3A_30 = tpu.memref_squeeze %dma_start3A_29 : memref<1x125xi32, #tpu.memory_space<vmem>> -> memref<125xi32, #tpu.memory_space<vmem>>
        %dma_start3A_31 = arith.constant 0 : i32
        %dma_start3A_32 = arith.constant 0 : i32
        %dma_start3A_33 = tpu.memref_slice %arg2[%dma_start3A_31, %dma_start3A_32] : memref<10000x128xf32, #tpu.memory_space<hbm>> -> memref<10000x128xf32, #tpu.memory_space<hbm>>
        tpu.enqueue_indirect_dma source(%dma_start3A_33 : memref<10000x128xf32, #tpu.memory_space<hbm>>) target(%arg9 : memref<125x128xf32, #tpu.memory_space<vmem>>) offsets(%dma_start3A_30 : memref<125xi32, #tpu.memory_space<vmem>>) semaphore(%run_scoped3A : memref<!tpu.dma_semaphore, #tpu.memory_space<semaphore_mem>>)
        %dma_wait3A = arith.constant 0 : i32
        %dma_wait3A_34 = tpu.memref_slice %arg7[%add3A_28, %dma_wait3A] : memref<80x125xi32, #tpu.memory_space<vmem>> -> memref<1x125xi32, #tpu.memory_space<vmem>>
        %dma_wait3A_35 = tpu.memref_squeeze %dma_wait3A_34 : memref<1x125xi32, #tpu.memory_space<vmem>> -> memref<125xi32, #tpu.memory_space<vmem>>
        %dma_wait3A_36 = arith.constant 0 : i32
        %dma_wait3A_37 = arith.constant 0 : i32
        %dma_wait3A_38 = tpu.memref_slice %arg2[%dma_wait3A_36, %dma_wait3A_37] : memref<10000x128xf32, #tpu.memory_space<hbm>> -> memref<10000x128xf32, #tpu.memory_space<hbm>>
        tpu.wait_indirect_dma semaphore(%run_scoped3A : memref<!tpu.dma_semaphore, #tpu.memory_space<semaphore_mem>>) src(%dma_wait3A_38 : memref<10000x128xf32, #tpu.memory_space<hbm>>) dst(%arg9 : memref<125x128xf32, #tpu.memory_space<vmem>>)
        tpu.yield
      }) : () -> ()
      "tpu.region"() ({
        %run_scoped3A = tpu.sem_alloc : memref<!tpu.dma_semaphore, #tpu.memory_space<semaphore_mem>>
        %dma_start3A = arith.constant 0 : i32
        %dma_start3A_29 = tpu.memref_slice %arg8[%add3A_28, %dma_start3A] : memref<80x125xi32, #tpu.memory_space<vmem>> -> memref<1x125xi32, #tpu.memory_space<vmem>>
        %dma_start3A_30 = tpu.memref_squeeze %dma_start3A_29 : memref<1x125xi32, #tpu.memory_space<vmem>> -> memref<125xi32, #tpu.memory_space<vmem>>
        %dma_start3A_31 = arith.constant 0 : i32
        %dma_start3A_32 = arith.constant 0 : i32
        %dma_start3A_33 = tpu.memref_slice %arg10[%dma_start3A_31, %dma_start3A_32] : memref<10000x128xf32, #tpu.memory_space<vmem_shared>> -> memref<10000x128xf32, #tpu.memory_space<vmem_shared>>
        tpu.enqueue_indirect_dma source(%arg9 : memref<125x128xf32, #tpu.memory_space<vmem>>) target(%dma_start3A_33 : memref<10000x128xf32, #tpu.memory_space<vmem_shared>>) offsets(%dma_start3A_30 : memref<125xi32, #tpu.memory_space<vmem>>) semaphore(%run_scoped3A : memref<!tpu.dma_semaphore, #tpu.memory_space<semaphore_mem>>) {add = true}
        %dma_wait3A = arith.constant 0 : i32
        %dma_wait3A_34 = tpu.memref_slice %arg8[%add3A_28, %dma_wait3A] : memref<80x125xi32, #tpu.memory_space<vmem>> -> memref<1x125xi32, #tpu.memory_space<vmem>>
        %dma_wait3A_35 = tpu.memref_squeeze %dma_wait3A_34 : memref<1x125xi32, #tpu.memory_space<vmem>> -> memref<125xi32, #tpu.memory_space<vmem>>
        %dma_wait3A_36 = arith.constant 0 : i32
        %dma_wait3A_37 = arith.constant 0 : i32
        %dma_wait3A_38 = tpu.memref_slice %arg10[%dma_wait3A_36, %dma_wait3A_37] : memref<10000x128xf32, #tpu.memory_space<vmem_shared>> -> memref<10000x128xf32, #tpu.memory_space<vmem_shared>>
        tpu.wait_indirect_dma semaphore(%run_scoped3A : memref<!tpu.dma_semaphore, #tpu.memory_space<semaphore_mem>>) src(%arg9 : memref<125x128xf32, #tpu.memory_space<vmem>>) dst(%dma_wait3A_38 : memref<10000x128xf32, #tpu.memory_space<vmem_shared>>)
        tpu.yield
      }) : () -> ()
    }
    %scan3A_12 = arith.constant 80 : i32
    %barrier3A_13 = arith.constant 0 : index
    tpu.barrier barrier_id(%barrier3A_13)
    %lt3A_14 = arith.constant 15 : i32
    %lt3A_15 = arith.cmpi slt, %arg1, %lt3A_14 : i32
    %convert_element_type3A_16 = arith.extui %lt3A_15 : i1 to i32
    %cond3A_17 = arith.constant 0 : i32
    %cond3A_18 = arith.cmpi ne, %convert_element_type3A_16, %cond3A_17 : i32
    scf.if %cond3A_18 {
      "tpu.region"() ({
        %run_scoped3A = tpu.sem_alloc : memref<!tpu.dma_semaphore, #tpu.memory_space<semaphore_mem>>
        %dma_start3A = arith.constant 0 : i32
        %dma_start3A_24 = tpu.memref_slice %arg6[%arg0, %multiple_of3A, %dma_start3A] : memref<2x10000x128xf32, #tpu.memory_space<hbm>> -> memref<1x632x128xf32, #tpu.memory_space<hbm>>
        %dma_start3A_25 = tpu.memref_squeeze %dma_start3A_24 : memref<1x632x128xf32, #tpu.memory_space<hbm>> -> memref<632x128xf32, #tpu.memory_space<hbm>>
        %dma_start3A_26 = arith.constant 0 : i32
        %dma_start3A_27 = tpu.memref_slice %arg10[%multiple_of3A, %dma_start3A_26] : memref<10000x128xf32, #tpu.memory_space<vmem_shared>> -> memref<632x128xf32, #tpu.memory_space<vmem_shared>>
        tpu.enqueue_dma source(%dma_start3A_27 : memref<632x128xf32, #tpu.memory_space<vmem_shared>>) target(%dma_start3A_25 : memref<632x128xf32, #tpu.memory_space<hbm>>) target_semaphore(%run_scoped3A : memref<!tpu.dma_semaphore, #tpu.memory_space<semaphore_mem>>)
        %dma_wait3A = arith.constant 0 : i32
        %dma_wait3A_28 = tpu.memref_slice %arg6[%arg0, %multiple_of3A, %dma_wait3A] : memref<2x10000x128xf32, #tpu.memory_space<hbm>> -> memref<1x632x128xf32, #tpu.memory_space<hbm>>
        %dma_wait3A_29 = tpu.memref_squeeze %dma_wait3A_28 : memref<1x632x128xf32, #tpu.memory_space<hbm>> -> memref<632x128xf32, #tpu.memory_space<hbm>>
        %dma_wait3A_30 = arith.constant 0 : i32
        %dma_wait3A_31 = tpu.memref_slice %arg10[%multiple_of3A, %dma_wait3A_30] : memref<10000x128xf32, #tpu.memory_space<vmem_shared>> -> memref<632x128xf32, #tpu.memory_space<vmem_shared>>
        tpu.wait_dma2 semaphore(%run_scoped3A : memref<!tpu.dma_semaphore, #tpu.memory_space<semaphore_mem>>) src(%dma_wait3A_31 : memref<632x128xf32, #tpu.memory_space<vmem_shared>>) dst(%dma_wait3A_29 : memref<632x128xf32, #tpu.memory_space<hbm>>)
        tpu.yield
      }) : () -> ()
    } else {
    }
    %eq3A_19 = arith.constant 15 : i32
    %eq3A_20 = arith.cmpi eq, %arg1, %eq3A_19 : i32
    %convert_element_type3A_21 = arith.extui %eq3A_20 : i1 to i32
    %cond3A_22 = arith.constant 0 : i32
    %cond3A_23 = arith.cmpi ne, %convert_element_type3A_21, %cond3A_22 : i32
    scf.if %cond3A_23 {
      "tpu.region"() ({
        %run_scoped3A = tpu.sem_alloc : memref<!tpu.dma_semaphore, #tpu.memory_space<semaphore_mem>>
        %dma_start3A = arith.constant 9480 : i32
        %dma_start3A_24 = arith.constant 0 : i32
        %dma_start3A_25 = tpu.memref_slice %arg6[%arg0, %dma_start3A, %dma_start3A_24] : memref<2x10000x128xf32, #tpu.memory_space<hbm>> -> memref<1x520x128xf32, #tpu.memory_space<hbm>>
        %dma_start3A_26 = tpu.memref_squeeze %dma_start3A_25 : memref<1x520x128xf32, #tpu.memory_space<hbm>> -> memref<520x128xf32, #tpu.memory_space<hbm>>
        %dma_start3A_27 = arith.constant 9480 : i32
        %dma_start3A_28 = arith.constant 0 : i32
        %dma_start3A_29 = tpu.memref_slice %arg10[%dma_start3A_27, %dma_start3A_28] : memref<10000x128xf32, #tpu.memory_space<vmem_shared>> -> memref<520x128xf32, #tpu.memory_space<vmem_shared>>
        tpu.enqueue_dma source(%dma_start3A_29 : memref<520x128xf32, #tpu.memory_space<vmem_shared>>) target(%dma_start3A_26 : memref<520x128xf32, #tpu.memory_space<hbm>>) target_semaphore(%run_scoped3A : memref<!tpu.dma_semaphore, #tpu.memory_space<semaphore_mem>>)
        %dma_wait3A = arith.constant 9480 : i32
        %dma_wait3A_30 = arith.constant 0 : i32
        %dma_wait3A_31 = tpu.memref_slice %arg6[%arg0, %dma_wait3A, %dma_wait3A_30] : memref<2x10000x128xf32, #tpu.memory_space<hbm>> -> memref<1x520x128xf32, #tpu.memory_space<hbm>>
        %dma_wait3A_32 = tpu.memref_squeeze %dma_wait3A_31 : memref<1x520x128xf32, #tpu.memory_space<hbm>> -> memref<520x128xf32, #tpu.memory_space<hbm>>
        %dma_wait3A_33 = arith.constant 9480 : i32
        %dma_wait3A_34 = arith.constant 0 : i32
        %dma_wait3A_35 = tpu.memref_slice %arg10[%dma_wait3A_33, %dma_wait3A_34] : memref<10000x128xf32, #tpu.memory_space<vmem_shared>> -> memref<520x128xf32, #tpu.memory_space<vmem_shared>>
        tpu.wait_dma2 semaphore(%run_scoped3A : memref<!tpu.dma_semaphore, #tpu.memory_space<semaphore_mem>>) src(%dma_wait3A_35 : memref<520x128xf32, #tpu.memory_space<vmem_shared>>) dst(%dma_wait3A_32 : memref<520x128xf32, #tpu.memory_space<hbm>>)
        tpu.yield
      }) : () -> ()
    } else {
    }
    return
  }
}

#map = affine_map<(d0, d1) -> (0, 0)>
#map1 = affine_map<(d0, d1) -> (0, 0, 0)>
module attributes {stable_mosaic.version = 14 : i64} {
  func.func @_aggregate(%arg0: i32, %arg1: i32, %arg2: memref<10000x128xf32, #tpu.memory_space<hbm>>, %arg3: memref<32x80x125xi32, #tpu.memory_space<hbm>>, %arg4: memref<32x80x125xi32, #tpu.memory_space<hbm>>, %arg5: memref<10000x128xf32, #tpu.memory_space<hbm>>, %arg6: memref<2x10000x128xf32, #tpu.memory_space<hbm>>, %arg7: memref<80x125xi32, #tpu.memory_space<vmem>>, %arg8: memref<80x125xi32, #tpu.memory_space<vmem>>, %arg9: memref<125x128xf32, #tpu.memory_space<vmem>>, %arg10: memref<10000x128xf32, #tpu.memory_space<vmem_shared>>) attributes {dimension_semantics = [#tpu.dimension_semantics<core_parallel>, #tpu.dimension_semantics<subcore_parallel>], iteration_bounds = array<i64: 2, 16>, scalar_prefetch = 0 : i64, scratch_operands = 4 : i64, tpu.core_type = #tpu.core_type<sc_vector_subcore>, window_params = [{transform_indices = #map}, {transform_indices = #map1}, {transform_indices = #map1}, {transform_indices = #map}, {transform_indices = #map1}]} {
    %mul3A = arith.constant 2 : i32
    %mul3A_0 = arith.muli %arg1, %mul3A : i32
    %add3A = arith.addi %mul3A_0, %arg0 : i32
    %mul3A_1 = arith.constant 632 : i32
    %mul3A_2 = arith.muli %arg1, %mul3A_1 : i32
    %multiple_of3A = tpu.assume_multiple %mul3A_2, 8 : i32
    %lt3A = arith.constant 15 : i32
    %lt3A_3 = arith.cmpi slt, %arg1, %lt3A : i32
    %convert_element_type3A = arith.extui %lt3A_3 : i1 to i32
    %cond3A = arith.constant 0 : i32
    %cond3A_4 = arith.cmpi ne, %convert_element_type3A, %cond3A : i32
    scf.if %cond3A_4 {
      "tpu.region"() ({
        %run_scoped3A = tpu.sem_alloc : memref<!tpu.dma_semaphore, #tpu.memory_space<semaphore_mem>>
        %dma_start3A = arith.constant 0 : i32
        %dma_start3A_24 = tpu.memref_slice %arg10[%multiple_of3A, %dma_start3A] : memref<10000x128xf32, #tpu.memory_space<vmem_shared>> -> memref<632x128xf32, #tpu.memory_space<vmem_shared>>
        %dma_start3A_25 = arith.constant 0 : i32
        %dma_start3A_26 = tpu.memref_slice %arg5[%multiple_of3A, %dma_start3A_25] : memref<10000x128xf32, #tpu.memory_space<hbm>> -> memref<632x128xf32, #tpu.memory_space<hbm>>
        tpu.enqueue_dma source(%dma_start3A_26 : memref<632x128xf32, #tpu.memory_space<hbm>>) target(%dma_start3A_24 : memref<632x128xf32, #tpu.memory_space<vmem_shared>>) target_semaphore(%run_scoped3A : memref<!tpu.dma_semaphore, #tpu.memory_space<semaphore_mem>>)
        %dma_wait3A = arith.constant 0 : i32
        %dma_wait3A_27 = tpu.memref_slice %arg10[%multiple_of3A, %dma_wait3A] : memref<10000x128xf32, #tpu.memory_space<vmem_shared>> -> memref<632x128xf32, #tpu.memory_space<vmem_shared>>
        %dma_wait3A_28 = arith.constant 0 : i32
        %dma_wait3A_29 = tpu.memref_slice %arg5[%multiple_of3A, %dma_wait3A_28] : memref<10000x128xf32, #tpu.memory_space<hbm>> -> memref<632x128xf32, #tpu.memory_space<hbm>>
        tpu.wait_dma2 semaphore(%run_scoped3A : memref<!tpu.dma_semaphore, #tpu.memory_space<semaphore_mem>>) src(%dma_wait3A_29 : memref<632x128xf32, #tpu.memory_space<hbm>>) dst(%dma_wait3A_27 : memref<632x128xf32, #tpu.memory_space<vmem_shared>>)
        tpu.yield
      }) : () -> ()
    } else {
    }
    %eq3A = arith.constant 15 : i32
    %eq3A_5 = arith.cmpi eq, %arg1, %eq3A : i32
    %convert_element_type3A_6 = arith.extui %eq3A_5 : i1 to i32
    %cond3A_7 = arith.constant 0 : i32
    %cond3A_8 = arith.cmpi ne, %convert_element_type3A_6, %cond3A_7 : i32
    scf.if %cond3A_8 {
      "tpu.region"() ({
        %run_scoped3A = tpu.sem_alloc : memref<!tpu.dma_semaphore, #tpu.memory_space<semaphore_mem>>
        %dma_start3A = arith.constant 9480 : i32
        %dma_start3A_24 = arith.constant 0 : i32
        %dma_start3A_25 = tpu.memref_slice %arg10[%dma_start3A, %dma_start3A_24] : memref<10000x128xf32, #tpu.memory_space<vmem_shared>> -> memref<520x128xf32, #tpu.memory_space<vmem_shared>>
        %dma_start3A_26 = arith.constant 9480 : i32
        %dma_start3A_27 = arith.constant 0 : i32
        %dma_start3A_28 = tpu.memref_slice %arg5[%dma_start3A_26, %dma_start3A_27] : memref<10000x128xf32, #tpu.memory_space<hbm>> -> memref<520x128xf32, #tpu.memory_space<hbm>>
        tpu.enqueue_dma source(%dma_start3A_28 : memref<520x128xf32, #tpu.memory_space<hbm>>) target(%dma_start3A_25 : memref<520x128xf32, #tpu.memory_space<vmem_shared>>) target_semaphore(%run_scoped3A : memref<!tpu.dma_semaphore, #tpu.memory_space<semaphore_mem>>)
        %dma_wait3A = arith.constant 9480 : i32
        %dma_wait3A_29 = arith.constant 0 : i32
        %dma_wait3A_30 = tpu.memref_slice %arg10[%dma_wait3A, %dma_wait3A_29] : memref<10000x128xf32, #tpu.memory_space<vmem_shared>> -> memref<520x128xf32, #tpu.memory_space<vmem_shared>>
        %dma_wait3A_31 = arith.constant 9480 : i32
        %dma_wait3A_32 = arith.constant 0 : i32
        %dma_wait3A_33 = tpu.memref_slice %arg5[%dma_wait3A_31, %dma_wait3A_32] : memref<10000x128xf32, #tpu.memory_space<hbm>> -> memref<520x128xf32, #tpu.memory_space<hbm>>
        tpu.wait_dma2 semaphore(%run_scoped3A : memref<!tpu.dma_semaphore, #tpu.memory_space<semaphore_mem>>) src(%dma_wait3A_33 : memref<520x128xf32, #tpu.memory_space<hbm>>) dst(%dma_wait3A_30 : memref<520x128xf32, #tpu.memory_space<vmem_shared>>)
        tpu.yield
      }) : () -> ()
    } else {
    }
    "tpu.region"() ({
      %run_scoped3A = tpu.sem_alloc : memref<!tpu.dma_semaphore, #tpu.memory_space<semaphore_mem>>
      %dma_start3A = arith.constant 0 : i32
      %dma_start3A_24 = arith.constant 0 : i32
      %dma_start3A_25 = tpu.memref_slice %arg3[%add3A, %dma_start3A, %dma_start3A_24] : memref<32x80x125xi32, #tpu.memory_space<hbm>> -> memref<1x80x125xi32, #tpu.memory_space<hbm>>
      %dma_start3A_26 = tpu.memref_squeeze %dma_start3A_25 : memref<1x80x125xi32, #tpu.memory_space<hbm>> -> memref<80x125xi32, #tpu.memory_space<hbm>>
      %dma_start3A_27 = arith.constant 0 : i32
      %dma_start3A_28 = arith.constant 0 : i32
      %dma_start3A_29 = tpu.memref_slice %arg3[%add3A, %dma_start3A_27, %dma_start3A_28] : memref<32x80x125xi32, #tpu.memory_space<hbm>> -> memref<1x80x125xi32, #tpu.memory_space<hbm>>
      %dma_start3A_30 = tpu.memref_squeeze %dma_start3A_29 : memref<1x80x125xi32, #tpu.memory_space<hbm>> -> memref<80x125xi32, #tpu.memory_space<hbm>>
      tpu.enqueue_dma source(%dma_start3A_30 : memref<80x125xi32, #tpu.memory_space<hbm>>) target(%arg7 : memref<80x125xi32, #tpu.memory_space<vmem>>) target_semaphore(%run_scoped3A : memref<!tpu.dma_semaphore, #tpu.memory_space<semaphore_mem>>)
      %dma_wait3A = arith.constant 0 : i32
      %dma_wait3A_31 = arith.constant 0 : i32
      %dma_wait3A_32 = tpu.memref_slice %arg3[%add3A, %dma_wait3A, %dma_wait3A_31] : memref<32x80x125xi32, #tpu.memory_space<hbm>> -> memref<1x80x125xi32, #tpu.memory_space<hbm>>
      %dma_wait3A_33 = tpu.memref_squeeze %dma_wait3A_32 : memref<1x80x125xi32, #tpu.memory_space<hbm>> -> memref<80x125xi32, #tpu.memory_space<hbm>>
      %dma_wait3A_34 = arith.constant 0 : i32
      %dma_wait3A_35 = arith.constant 0 : i32
      %dma_wait3A_36 = tpu.memref_slice %arg3[%add3A, %dma_wait3A_34, %dma_wait3A_35] : memref<32x80x125xi32, #tpu.memory_space<hbm>> -> memref<1x80x125xi32, #tpu.memory_space<hbm>>
      %dma_wait3A_37 = tpu.memref_squeeze %dma_wait3A_36 : memref<1x80x125xi32, #tpu.memory_space<hbm>> -> memref<80x125xi32, #tpu.memory_space<hbm>>
      tpu.wait_dma2 semaphore(%run_scoped3A : memref<!tpu.dma_semaphore, #tpu.memory_space<semaphore_mem>>) src(%dma_wait3A_37 : memref<80x125xi32, #tpu.memory_space<hbm>>) dst(%arg7 : memref<80x125xi32, #tpu.memory_space<vmem>>)
      tpu.yield
    }) : () -> ()
    "tpu.region"() ({
      %run_scoped3A = tpu.sem_alloc : memref<!tpu.dma_semaphore, #tpu.memory_space<semaphore_mem>>
      %dma_start3A = arith.constant 0 : i32
      %dma_start3A_24 = arith.constant 0 : i32
      %dma_start3A_25 = tpu.memref_slice %arg4[%add3A, %dma_start3A, %dma_start3A_24] : memref<32x80x125xi32, #tpu.memory_space<hbm>> -> memref<1x80x125xi32, #tpu.memory_space<hbm>>
      %dma_start3A_26 = tpu.memref_squeeze %dma_start3A_25 : memref<1x80x125xi32, #tpu.memory_space<hbm>> -> memref<80x125xi32, #tpu.memory_space<hbm>>
      %dma_start3A_27 = arith.constant 0 : i32
      %dma_start3A_28 = arith.constant 0 : i32
      %dma_start3A_29 = tpu.memref_slice %arg4[%add3A, %dma_start3A_27, %dma_start3A_28] : memref<32x80x125xi32, #tpu.memory_space<hbm>> -> memref<1x80x125xi32, #tpu.memory_space<hbm>>
      %dma_start3A_30 = tpu.memref_squeeze %dma_start3A_29 : memref<1x80x125xi32, #tpu.memory_space<hbm>> -> memref<80x125xi32, #tpu.memory_space<hbm>>
      tpu.enqueue_dma source(%dma_start3A_30 : memref<80x125xi32, #tpu.memory_space<hbm>>) target(%arg8 : memref<80x125xi32, #tpu.memory_space<vmem>>) target_semaphore(%run_scoped3A : memref<!tpu.dma_semaphore, #tpu.memory_space<semaphore_mem>>)
      %dma_wait3A = arith.constant 0 : i32
      %dma_wait3A_31 = arith.constant 0 : i32
      %dma_wait3A_32 = tpu.memref_slice %arg4[%add3A, %dma_wait3A, %dma_wait3A_31] : memref<32x80x125xi32, #tpu.memory_space<hbm>> -> memref<1x80x125xi32, #tpu.memory_space<hbm>>
      %dma_wait3A_33 = tpu.memref_squeeze %dma_wait3A_32 : memref<1x80x125xi32, #tpu.memory_space<hbm>> -> memref<80x125xi32, #tpu.memory_space<hbm>>
      %dma_wait3A_34 = arith.constant 0 : i32
      %dma_wait3A_35 = arith.constant 0 : i32
      %dma_wait3A_36 = tpu.memref_slice %arg4[%add3A, %dma_wait3A_34, %dma_wait3A_35] : memref<32x80x125xi32, #tpu.memory_space<hbm>> -> memref<1x80x125xi32, #tpu.memory_space<hbm>>
      %dma_wait3A_37 = tpu.memref_squeeze %dma_wait3A_36 : memref<1x80x125xi32, #tpu.memory_space<hbm>> -> memref<80x125xi32, #tpu.memory_space<hbm>>
      tpu.wait_dma2 semaphore(%run_scoped3A : memref<!tpu.dma_semaphore, #tpu.memory_space<semaphore_mem>>) src(%dma_wait3A_37 : memref<80x125xi32, #tpu.memory_space<hbm>>) dst(%arg8 : memref<80x125xi32, #tpu.memory_space<vmem>>)
      tpu.yield
    }) : () -> ()
    %barrier3A = arith.constant 0 : index
    tpu.barrier barrier_id(%barrier3A)
    %scan3A = arith.constant 0 : i32
    %scan3A_9 = arith.constant 80 : i32
    %scan3A_10 = arith.addi %scan3A, %scan3A_9 : i32
    %scan3A_11 = arith.constant 1 : i32
    scf.for %scan3A_24 = %scan3A to %scan3A_10 step %scan3A_11  : i32 {
      %mul3A_25 = arith.constant 1 : i32
      %mul3A_26 = arith.muli %scan3A_24, %mul3A_25 : i32
      %add3A_27 = arith.constant 0 : i32
      %add3A_28 = arith.addi %add3A_27, %mul3A_26 : i32
      "tpu.region"() ({
        %run_scoped3A = tpu.sem_alloc : memref<!tpu.dma_semaphore, #tpu.memory_space<semaphore_mem>>
        %dma_start3A = arith.constant 0 : i32
        %dma_start3A_29 = tpu.memref_slice %arg7[%add3A_28, %dma_start3A] : memref<80x125xi32, #tpu.memory_space<vmem>> -> memref<1x125xi32, #tpu.memory_space<vmem>>
        %dma_start3A_30 = tpu.memref_squeeze %dma_start3A_29 : memref<1x125xi32, #tpu.memory_space<vmem>> -> memref<125xi32, #tpu.memory_space<vmem>>
        %dma_start3A_31 = arith.constant 0 : i32
        %dma_start3A_32 = arith.constant 0 : i32
        %dma_start3A_33 = tpu.memref_slice %arg2[%dma_start3A_31, %dma_start3A_32] : memref<10000x128xf32, #tpu.memory_space<hbm>> -> memref<10000x128xf32, #tpu.memory_space<hbm>>
        tpu.enqueue_indirect_dma source(%dma_start3A_33 : memref<10000x128xf32, #tpu.memory_space<hbm>>) target(%arg9 : memref<125x128xf32, #tpu.memory_space<vmem>>) offsets(%dma_start3A_30 : memref<125xi32, #tpu.memory_space<vmem>>) semaphore(%run_scoped3A : memref<!tpu.dma_semaphore, #tpu.memory_space<semaphore_mem>>)
        %dma_wait3A = arith.constant 0 : i32
        %dma_wait3A_34 = tpu.memref_slice %arg7[%add3A_28, %dma_wait3A] : memref<80x125xi32, #tpu.memory_space<vmem>> -> memref<1x125xi32, #tpu.memory_space<vmem>>
        %dma_wait3A_35 = tpu.memref_squeeze %dma_wait3A_34 : memref<1x125xi32, #tpu.memory_space<vmem>> -> memref<125xi32, #tpu.memory_space<vmem>>
        %dma_wait3A_36 = arith.constant 0 : i32
        %dma_wait3A_37 = arith.constant 0 : i32
        %dma_wait3A_38 = tpu.memref_slice %arg2[%dma_wait3A_36, %dma_wait3A_37] : memref<10000x128xf32, #tpu.memory_space<hbm>> -> memref<10000x128xf32, #tpu.memory_space<hbm>>
        tpu.wait_indirect_dma semaphore(%run_scoped3A : memref<!tpu.dma_semaphore, #tpu.memory_space<semaphore_mem>>) src(%dma_wait3A_38 : memref<10000x128xf32, #tpu.memory_space<hbm>>) dst(%arg9 : memref<125x128xf32, #tpu.memory_space<vmem>>)
        tpu.yield
      }) : () -> ()
      "tpu.region"() ({
        %run_scoped3A = tpu.sem_alloc : memref<!tpu.dma_semaphore, #tpu.memory_space<semaphore_mem>>
        %dma_start3A = arith.constant 0 : i32
        %dma_start3A_29 = tpu.memref_slice %arg8[%add3A_28, %dma_start3A] : memref<80x125xi32, #tpu.memory_space<vmem>> -> memref<1x125xi32, #tpu.memory_space<vmem>>
        %dma_start3A_30 = tpu.memref_squeeze %dma_start3A_29 : memref<1x125xi32, #tpu.memory_space<vmem>> -> memref<125xi32, #tpu.memory_space<vmem>>
        %dma_start3A_31 = arith.constant 0 : i32
        %dma_start3A_32 = arith.constant 0 : i32
        %dma_start3A_33 = tpu.memref_slice %arg10[%dma_start3A_31, %dma_start3A_32] : memref<10000x128xf32, #tpu.memory_space<vmem_shared>> -> memref<10000x128xf32, #tpu.memory_space<vmem_shared>>
        tpu.enqueue_indirect_dma source(%arg9 : memref<125x128xf32, #tpu.memory_space<vmem>>) target(%dma_start3A_33 : memref<10000x128xf32, #tpu.memory_space<vmem_shared>>) offsets(%dma_start3A_30 : memref<125xi32, #tpu.memory_space<vmem>>) semaphore(%run_scoped3A : memref<!tpu.dma_semaphore, #tpu.memory_space<semaphore_mem>>) {add = true}
        %dma_wait3A = arith.constant 0 : i32
        %dma_wait3A_34 = tpu.memref_slice %arg8[%add3A_28, %dma_wait3A] : memref<80x125xi32, #tpu.memory_space<vmem>> -> memref<1x125xi32, #tpu.memory_space<vmem>>
        %dma_wait3A_35 = tpu.memref_squeeze %dma_wait3A_34 : memref<1x125xi32, #tpu.memory_space<vmem>> -> memref<125xi32, #tpu.memory_space<vmem>>
        %dma_wait3A_36 = arith.constant 0 : i32
        %dma_wait3A_37 = arith.constant 0 : i32
        %dma_wait3A_38 = tpu.memref_slice %arg10[%dma_wait3A_36, %dma_wait3A_37] : memref<10000x128xf32, #tpu.memory_space<vmem_shared>> -> memref<10000x128xf32, #tpu.memory_space<vmem_shared>>
        tpu.wait_indirect_dma semaphore(%run_scoped3A : memref<!tpu.dma_semaphore, #tpu.memory_space<semaphore_mem>>) src(%arg9 : memref<125x128xf32, #tpu.memory_space<vmem>>) dst(%dma_wait3A_38 : memref<10000x128xf32, #tpu.memory_space<vmem_shared>>)
        tpu.yield
      }) : () -> ()
    }
    %scan3A_12 = arith.constant 80 : i32
    %barrier3A_13 = arith.constant 0 : index
    tpu.barrier barrier_id(%barrier3A_13)
    %lt3A_14 = arith.constant 15 : i32
    %lt3A_15 = arith.cmpi slt, %arg1, %lt3A_14 : i32
    %convert_element_type3A_16 = arith.extui %lt3A_15 : i1 to i32
    %cond3A_17 = arith.constant 0 : i32
    %cond3A_18 = arith.cmpi ne, %convert_element_type3A_16, %cond3A_17 : i32
    scf.if %cond3A_18 {
      "tpu.region"() ({
        %run_scoped3A = tpu.sem_alloc : memref<!tpu.dma_semaphore, #tpu.memory_space<semaphore_mem>>
        %dma_start3A = arith.constant 0 : i32
        %dma_start3A_24 = tpu.memref_slice %arg6[%arg0, %multiple_of3A, %dma_start3A] : memref<2x10000x128xf32, #tpu.memory_space<hbm>> -> memref<1x632x128xf32, #tpu.memory_space<hbm>>
        %dma_start3A_25 = tpu.memref_squeeze %dma_start3A_24 : memref<1x632x128xf32, #tpu.memory_space<hbm>> -> memref<632x128xf32, #tpu.memory_space<hbm>>
        %dma_start3A_26 = arith.constant 0 : i32
        %dma_start3A_27 = tpu.memref_slice %arg10[%multiple_of3A, %dma_start3A_26] : memref<10000x128xf32, #tpu.memory_space<vmem_shared>> -> memref<632x128xf32, #tpu.memory_space<vmem_shared>>
        tpu.enqueue_dma source(%dma_start3A_27 : memref<632x128xf32, #tpu.memory_space<vmem_shared>>) target(%dma_start3A_25 : memref<632x128xf32, #tpu.memory_space<hbm>>) target_semaphore(%run_scoped3A : memref<!tpu.dma_semaphore, #tpu.memory_space<semaphore_mem>>)
        %dma_wait3A = arith.constant 0 : i32
        %dma_wait3A_28 = tpu.memref_slice %arg6[%arg0, %multiple_of3A, %dma_wait3A] : memref<2x10000x128xf32, #tpu.memory_space<hbm>> -> memref<1x632x128xf32, #tpu.memory_space<hbm>>
        %dma_wait3A_29 = tpu.memref_squeeze %dma_wait3A_28 : memref<1x632x128xf32, #tpu.memory_space<hbm>> -> memref<632x128xf32, #tpu.memory_space<hbm>>
        %dma_wait3A_30 = arith.constant 0 : i32
        %dma_wait3A_31 = tpu.memref_slice %arg10[%multiple_of3A, %dma_wait3A_30] : memref<10000x128xf32, #tpu.memory_space<vmem_shared>> -> memref<632x128xf32, #tpu.memory_space<vmem_shared>>
        tpu.wait_dma2 semaphore(%run_scoped3A : memref<!tpu.dma_semaphore, #tpu.memory_space<semaphore_mem>>) src(%dma_wait3A_31 : memref<632x128xf32, #tpu.memory_space<vmem_shared>>) dst(%dma_wait3A_29 : memref<632x128xf32, #tpu.memory_space<hbm>>)
        tpu.yield
      }) : () -> ()
    } else {
    }
    %eq3A_19 = arith.constant 15 : i32
    %eq3A_20 = arith.cmpi eq, %arg1, %eq3A_19 : i32
    %convert_element_type3A_21 = arith.extui %eq3A_20 : i1 to i32
    %cond3A_22 = arith.constant 0 : i32
    %cond3A_23 = arith.cmpi ne, %convert_element_type3A_21, %cond3A_22 : i32
    scf.if %cond3A_23 {
      "tpu.region"() ({
        %run_scoped3A = tpu.sem_alloc : memref<!tpu.dma_semaphore, #tpu.memory_space<semaphore_mem>>
        %dma_start3A = arith.constant 9480 : i32
        %dma_start3A_24 = arith.constant 0 : i32
        %dma_start3A_25 = tpu.memref_slice %arg6[%arg0, %dma_start3A, %dma_start3A_24] : memref<2x10000x128xf32, #tpu.memory_space<hbm>> -> memref<1x520x128xf32, #tpu.memory_space<hbm>>
        %dma_start3A_26 = tpu.memref_squeeze %dma_start3A_25 : memref<1x520x128xf32, #tpu.memory_space<hbm>> -> memref<520x128xf32, #tpu.memory_space<hbm>>
        %dma_start3A_27 = arith.constant 9480 : i32
        %dma_start3A_28 = arith.constant 0 : i32
        %dma_start3A_29 = tpu.memref_slice %arg10[%dma_start3A_27, %dma_start3A_28] : memref<10000x128xf32, #tpu.memory_space<vmem_shared>> -> memref<520x128xf32, #tpu.memory_space<vmem_shared>>
        tpu.enqueue_dma source(%dma_start3A_29 : memref<520x128xf32, #tpu.memory_space<vmem_shared>>) target(%dma_start3A_26 : memref<520x128xf32, #tpu.memory_space<hbm>>) target_semaphore(%run_scoped3A : memref<!tpu.dma_semaphore, #tpu.memory_space<semaphore_mem>>)
        %dma_wait3A = arith.constant 9480 : i32
        %dma_wait3A_30 = arith.constant 0 : i32
        %dma_wait3A_31 = tpu.memref_slice %arg6[%arg0, %dma_wait3A, %dma_wait3A_30] : memref<2x10000x128xf32, #tpu.memory_space<hbm>> -> memref<1x520x128xf32, #tpu.memory_space<hbm>>
        %dma_wait3A_32 = tpu.memref_squeeze %dma_wait3A_31 : memref<1x520x128xf32, #tpu.memory_space<hbm>> -> memref<520x128xf32, #tpu.memory_space<hbm>>
        %dma_wait3A_33 = arith.constant 9480 : i32
        %dma_wait3A_34 = arith.constant 0 : i32
        %dma_wait3A_35 = tpu.memref_slice %arg10[%dma_wait3A_33, %dma_wait3A_34] : memref<10000x128xf32, #tpu.memory_space<vmem_shared>> -> memref<520x128xf32, #tpu.memory_space<vmem_shared>>
        tpu.wait_dma2 semaphore(%run_scoped3A : memref<!tpu.dma_semaphore, #tpu.memory_space<semaphore_mem>>) src(%dma_wait3A_35 : memref<520x128xf32, #tpu.memory_space<vmem_shared>>) dst(%dma_wait3A_32 : memref<520x128xf32, #tpu.memory_space<hbm>>)
        tpu.yield
      }) : () -> ()
    } else {
    }
    return
  }
}

module attributes {stable_mosaic.version = 14 : i64} {
  func.func @_in_body(%arg0: i32, %arg1: memref<5000x128xf32, #tpu.memory_space<vmem>>, %arg2: memref<128x128xf32, #tpu.memory_space<vmem>>, %arg3: memref<1x128xf32, #tpu.memory_space<vmem>>, %arg4: memref<5000x128xf32, #tpu.memory_space<vmem>>) attributes {dimension_semantics = [#tpu.dimension_semantics<arbitrary>], iteration_bounds = array<i64: 2>, scalar_prefetch = 0 : i64, scratch_operands = 0 : i64, tpu.core_type = #tpu.core_type<tc>, window_params = [{transform_indices = @transform_0, window_bounds = array<i64: 5000, 128>}, {pipeline_mode = #tpu.pipeline_mode<synchronous>, transform_indices = @transform_1, window_bounds = array<i64: 128, 128>}, {pipeline_mode = #tpu.pipeline_mode<synchronous>, transform_indices = @transform_2, window_bounds = array<i64: 1, 128>}, {transform_indices = @transform_3, window_bounds = array<i64: 5000, 128>}]} {
    %get3A = arith.constant 0 : index
    %get3A_0 = arith.constant 0 : index
    %get3A_1 = vector.load %arg1[%get3A, %get3A_0] : memref<5000x128xf32, #tpu.memory_space<vmem>>, vector<5000x128xf32>
    %get3A_2 = arith.constant 0 : index
    %get3A_3 = arith.constant 0 : index
    %get3A_4 = vector.load %arg2[%get3A_2, %get3A_3] : memref<128x128xf32, #tpu.memory_space<vmem>>, vector<128x128xf32>
    %dot_general3A = arith.constant dense<0.000000e+00> : vector<5000x128xf32>
    %dot_general3A_5 = tpu.matmul %get3A_1, %get3A_4, %dot_general3A {dimension_numbers = #tpu.dot_dimension_numbers<[1], [0], [0], [1], [0, 0, 1, 1], [], []>, transpose_lhs_hint = false} : vector<5000x128xf32>, vector<128x128xf32>, vector<5000x128xf32> -> vector<5000x128xf32>
    %get3A_6 = arith.constant 0 : index
    %get3A_7 = arith.constant 0 : index
    %get3A_8 = vector.load %arg3[%get3A_6, %get3A_7] : memref<1x128xf32, #tpu.memory_space<vmem>>, vector<1x128xf32>
    %add3A = vector.broadcast %get3A_8 : vector<1x128xf32> to vector<5000x128xf32>
    %add3A_9 = arith.addf %dot_general3A_5, %add3A : vector<5000x128xf32>
    %max3A = arith.constant 0.000000e+00 : f32
    %max3A_10 = vector.broadcast %max3A : f32 to vector<5000x128xf32>
    %max3A_11 = arith.maximumf %add3A_9, %max3A_10 : vector<5000x128xf32>
    %swap3A = arith.constant 0 : index
    %swap3A_12 = arith.constant 0 : index
    %swap3A_13 = vector.load %arg4[%swap3A, %swap3A_12] : memref<5000x128xf32, #tpu.memory_space<vmem>>, vector<5000x128xf32>
    tpu.vector_store %arg4[%swap3A, %swap3A_12], %max3A_11 {strides = array<i32>} : memref<5000x128xf32, #tpu.memory_space<vmem>>, vector<5000x128xf32>,
    return
  }
  func.func @transform_0(%arg0: i32) -> (i32, i32) {
    %c0_i32 = arith.constant 0 : i32
    %c0_i32_0 = arith.constant 0 : i32
    return %arg0, %c0_i32 : i32, i32
  }
  func.func @transform_1(%arg0: i32) -> (i32, i32) {
    %c0_i32 = arith.constant 0 : i32
    %c0_i32_0 = arith.constant 0 : i32
    %c0_i32_1 = arith.constant 0 : i32
    return %c0_i32, %c0_i32_0 : i32, i32
  }
  func.func @transform_2(%arg0: i32) -> (i32, i32) {
    %c0_i32 = arith.constant 0 : i32
    %c0_i32_0 = arith.constant 0 : i32
    %c0_i32_1 = arith.constant 0 : i32
    return %c0_i32, %c0_i32_0 : i32, i32
  }
  func.func @transform_3(%arg0: i32) -> (i32, i32) {
    %c0_i32 = arith.constant 0 : i32
    %c0_i32_0 = arith.constant 0 : i32
    return %arg0, %c0_i32 : i32, i32
  }
}

module attributes {stable_mosaic.version = 14 : i64} {
  func.func @_layer_body(%arg0: i32, %arg1: memref<5000x128xf32, #tpu.memory_space<vmem>>, %arg2: memref<1x5000x128xf32, #tpu.memory_space<vmem>>, %arg3: memref<1x5000x128xf32, #tpu.memory_space<vmem>>, %arg4: memref<128x128xf32, #tpu.memory_space<vmem>>, %arg5: memref<1x128xf32, #tpu.memory_space<vmem>>, %arg6: memref<5000x128xf32, #tpu.memory_space<vmem>>) attributes {dimension_semantics = [#tpu.dimension_semantics<arbitrary>], iteration_bounds = array<i64: 2>, scalar_prefetch = 0 : i64, scratch_operands = 0 : i64, tpu.core_type = #tpu.core_type<tc>, window_params = [{transform_indices = @transform_0, window_bounds = array<i64: 5000, 128>}, {transform_indices = @transform_1, window_bounds = array<i64: 1, 5000, 128>}, {transform_indices = @transform_2, window_bounds = array<i64: 1, 5000, 128>}, {pipeline_mode = #tpu.pipeline_mode<synchronous>, transform_indices = @transform_3, window_bounds = array<i64: 128, 128>}, {pipeline_mode = #tpu.pipeline_mode<synchronous>, transform_indices = @transform_4, window_bounds = array<i64: 1, 128>}, {transform_indices = @transform_5, window_bounds = array<i64: 5000, 128>}]} {
    %get3A = arith.constant 0 : index
    %get3A_0 = arith.constant 0 : index
    %get3A_1 = vector.load %arg1[%get3A, %get3A_0] : memref<5000x128xf32, #tpu.memory_space<vmem>>, vector<5000x128xf32>
    %get3A_2 = arith.constant 0 : index
    %get3A_3 = arith.constant 0 : index
    %get3A_4 = arith.constant 0 : index
    %get3A_5 = vector.load %arg2[%get3A_2, %get3A_3, %get3A_4] : memref<1x5000x128xf32, #tpu.memory_space<vmem>>, vector<1x5000x128xf32>
    %get3A_6 = vector.shape_cast %get3A_5 : vector<1x5000x128xf32> to vector<5000x128xf32>
    %add3A = arith.addf %get3A_1, %get3A_6 : vector<5000x128xf32>
    %get3A_7 = arith.constant 0 : index
    %get3A_8 = arith.constant 0 : index
    %get3A_9 = arith.constant 0 : index
    %get3A_10 = vector.load %arg3[%get3A_7, %get3A_8, %get3A_9] : memref<1x5000x128xf32, #tpu.memory_space<vmem>>, vector<1x5000x128xf32>
    %get3A_11 = vector.shape_cast %get3A_10 : vector<1x5000x128xf32> to vector<5000x128xf32>
    %add3A_12 = arith.addf %add3A, %get3A_11 : vector<5000x128xf32>
    %get3A_13 = arith.constant 0 : index
    %get3A_14 = arith.constant 0 : index
    %get3A_15 = vector.load %arg4[%get3A_13, %get3A_14] : memref<128x128xf32, #tpu.memory_space<vmem>>, vector<128x128xf32>
    %dot_general3A = arith.constant dense<0.000000e+00> : vector<5000x128xf32>
    %dot_general3A_16 = tpu.matmul %add3A_12, %get3A_15, %dot_general3A {dimension_numbers = #tpu.dot_dimension_numbers<[1], [0], [0], [1], [0, 0, 1, 1], [], []>, transpose_lhs_hint = false} : vector<5000x128xf32>, vector<128x128xf32>, vector<5000x128xf32> -> vector<5000x128xf32>
    %get3A_17 = arith.constant 0 : index
    %get3A_18 = arith.constant 0 : index
    %get3A_19 = vector.load %arg5[%get3A_17, %get3A_18] : memref<1x128xf32, #tpu.memory_space<vmem>>, vector<1x128xf32>
    %add3A_20 = vector.broadcast %get3A_19 : vector<1x128xf32> to vector<5000x128xf32>
    %add3A_21 = arith.addf %dot_general3A_16, %add3A_20 : vector<5000x128xf32>
    %max3A = arith.constant 0.000000e+00 : f32
    %max3A_22 = vector.broadcast %max3A : f32 to vector<5000x128xf32>
    %max3A_23 = arith.maximumf %add3A_21, %max3A_22 : vector<5000x128xf32>
    %swap3A = arith.constant 0 : index
    %swap3A_24 = arith.constant 0 : index
    %swap3A_25 = vector.load %arg6[%swap3A, %swap3A_24] : memref<5000x128xf32, #tpu.memory_space<vmem>>, vector<5000x128xf32>
    tpu.vector_store %arg6[%swap3A, %swap3A_24], %max3A_23 {strides = array<i32>} : memref<5000x128xf32, #tpu.memory_space<vmem>>, vector<5000x128xf32>,
    return
  }
  func.func @transform_0(%arg0: i32) -> (i32, i32) {
    %c0_i32 = arith.constant 0 : i32
    %c0_i32_0 = arith.constant 0 : i32
    return %arg0, %c0_i32 : i32, i32
  }
  func.func @transform_1(%arg0: i32) -> (i32, i32, i32) {
    %c0_i32 = arith.constant 0 : i32
    %c0_i32_0 = arith.constant 0 : i32
    %c0_i32_1 = arith.constant 0 : i32
    return %c0_i32, %arg0, %c0_i32_0 : i32, i32, i32
  }
  func.func @transform_2(%arg0: i32) -> (i32, i32, i32) {
    %c1_i32 = arith.constant 1 : i32
    %c0_i32 = arith.constant 0 : i32
    %c0_i32_0 = arith.constant 0 : i32
    return %c1_i32, %arg0, %c0_i32 : i32, i32, i32
  }
  func.func @transform_3(%arg0: i32) -> (i32, i32) {
    %c0_i32 = arith.constant 0 : i32
    %c0_i32_0 = arith.constant 0 : i32
    %c0_i32_1 = arith.constant 0 : i32
    return %c0_i32, %c0_i32_0 : i32, i32
  }
  func.func @transform_4(%arg0: i32) -> (i32, i32) {
    %c0_i32 = arith.constant 0 : i32
    %c0_i32_0 = arith.constant 0 : i32
    %c0_i32_1 = arith.constant 0 : i32
    return %c0_i32, %c0_i32_0 : i32, i32
  }
  func.func @transform_5(%arg0: i32) -> (i32, i32) {
    %c0_i32 = arith.constant 0 : i32
    %c0_i32_0 = arith.constant 0 : i32
    return %arg0, %c0_i32 : i32, i32
  }
}

module attributes {stable_mosaic.version = 14 : i64} {
  func.func @_final_body(%arg0: i32, %arg1: memref<5000x128xf32, #tpu.memory_space<vmem>>, %arg2: memref<1x5000x128xf32, #tpu.memory_space<vmem>>, %arg3: memref<1x5000x128xf32, #tpu.memory_space<vmem>>, %arg4: memref<128x128xf32, #tpu.memory_space<vmem>>, %arg5: memref<1x128xf32, #tpu.memory_space<vmem>>, %arg6: memref<128x40xf32, #tpu.memory_space<vmem>>, %arg7: memref<1x40xf32, #tpu.memory_space<vmem>>, %arg8: memref<5000x40xf32, #tpu.memory_space<vmem>>) attributes {dimension_semantics = [#tpu.dimension_semantics<arbitrary>], iteration_bounds = array<i64: 2>, scalar_prefetch = 0 : i64, scratch_operands = 0 : i64, tpu.core_type = #tpu.core_type<tc>, window_params = [{transform_indices = @transform_0, window_bounds = array<i64: 5000, 128>}, {transform_indices = @transform_1, window_bounds = array<i64: 1, 5000, 128>}, {transform_indices = @transform_2, window_bounds = array<i64: 1, 5000, 128>}, {pipeline_mode = #tpu.pipeline_mode<synchronous>, transform_indices = @transform_3, window_bounds = array<i64: 128, 128>}, {pipeline_mode = #tpu.pipeline_mode<synchronous>, transform_indices = @transform_4, window_bounds = array<i64: 1, 128>}, {pipeline_mode = #tpu.pipeline_mode<synchronous>, transform_indices = @transform_5, window_bounds = array<i64: 128, 40>}, {pipeline_mode = #tpu.pipeline_mode<synchronous>, transform_indices = @transform_6, window_bounds = array<i64: 1, 40>}, {transform_indices = @transform_7, window_bounds = array<i64: 5000, 40>}]} {
    %get3A = arith.constant 0 : index
    %get3A_0 = arith.constant 0 : index
    %get3A_1 = vector.load %arg1[%get3A, %get3A_0] : memref<5000x128xf32, #tpu.memory_space<vmem>>, vector<5000x128xf32>
    %get3A_2 = arith.constant 0 : index
    %get3A_3 = arith.constant 0 : index
    %get3A_4 = arith.constant 0 : index
    %get3A_5 = vector.load %arg2[%get3A_2, %get3A_3, %get3A_4] : memref<1x5000x128xf32, #tpu.memory_space<vmem>>, vector<1x5000x128xf32>
    %get3A_6 = vector.shape_cast %get3A_5 : vector<1x5000x128xf32> to vector<5000x128xf32>
    %add3A = arith.addf %get3A_1, %get3A_6 : vector<5000x128xf32>
    %get3A_7 = arith.constant 0 : index
    %get3A_8 = arith.constant 0 : index
    %get3A_9 = arith.constant 0 : index
    %get3A_10 = vector.load %arg3[%get3A_7, %get3A_8, %get3A_9] : memref<1x5000x128xf32, #tpu.memory_space<vmem>>, vector<1x5000x128xf32>
    %get3A_11 = vector.shape_cast %get3A_10 : vector<1x5000x128xf32> to vector<5000x128xf32>
    %add3A_12 = arith.addf %add3A, %get3A_11 : vector<5000x128xf32>
    %get3A_13 = arith.constant 0 : index
    %get3A_14 = arith.constant 0 : index
    %get3A_15 = vector.load %arg4[%get3A_13, %get3A_14] : memref<128x128xf32, #tpu.memory_space<vmem>>, vector<128x128xf32>
    %dot_general3A = arith.constant dense<0.000000e+00> : vector<5000x128xf32>
    %dot_general3A_16 = tpu.matmul %add3A_12, %get3A_15, %dot_general3A {dimension_numbers = #tpu.dot_dimension_numbers<[1], [0], [0], [1], [0, 0, 1, 1], [], []>, transpose_lhs_hint = false} : vector<5000x128xf32>, vector<128x128xf32>, vector<5000x128xf32> -> vector<5000x128xf32>
    %get3A_17 = arith.constant 0 : index
    %get3A_18 = arith.constant 0 : index
    %get3A_19 = vector.load %arg5[%get3A_17, %get3A_18] : memref<1x128xf32, #tpu.memory_space<vmem>>, vector<1x128xf32>
    %add3A_20 = vector.broadcast %get3A_19 : vector<1x128xf32> to vector<5000x128xf32>
    %add3A_21 = arith.addf %dot_general3A_16, %add3A_20 : vector<5000x128xf32>
    %max3A = arith.constant 0.000000e+00 : f32
    %max3A_22 = vector.broadcast %max3A : f32 to vector<5000x128xf32>
    %max3A_23 = arith.maximumf %add3A_21, %max3A_22 : vector<5000x128xf32>
    %get3A_24 = arith.constant 0 : index
    %get3A_25 = arith.constant 0 : index
    %get3A_26 = vector.load %arg6[%get3A_24, %get3A_25] : memref<128x40xf32, #tpu.memory_space<vmem>>, vector<128x40xf32>
    %dot_general3A_27 = arith.constant dense<0.000000e+00> : vector<5000x40xf32>
    %dot_general3A_28 = tpu.matmul %max3A_23, %get3A_26, %dot_general3A_27 {dimension_numbers = #tpu.dot_dimension_numbers<[1], [0], [0], [1], [0, 0, 1, 1], [], []>, transpose_lhs_hint = false} : vector<5000x128xf32>, vector<128x40xf32>, vector<5000x40xf32> -> vector<5000x40xf32>
    %get3A_29 = arith.constant 0 : index
    %get3A_30 = arith.constant 0 : index
    %get3A_31 = vector.load %arg7[%get3A_29, %get3A_30] : memref<1x40xf32, #tpu.memory_space<vmem>>, vector<1x40xf32>
    %add3A_32 = vector.broadcast %get3A_31 : vector<1x40xf32> to vector<5000x40xf32>
    %add3A_33 = arith.addf %dot_general3A_28, %add3A_32 : vector<5000x40xf32>
    %swap3A = arith.constant 0 : index
    %swap3A_34 = arith.constant 0 : index
    %swap3A_35 = vector.load %arg8[%swap3A, %swap3A_34] : memref<5000x40xf32, #tpu.memory_space<vmem>>, vector<5000x40xf32>
    tpu.vector_store %arg8[%swap3A, %swap3A_34], %add3A_33 {strides = array<i32>} : memref<5000x40xf32, #tpu.memory_space<vmem>>, vector<5000x40xf32>,
    return
  }
  func.func @transform_0(%arg0: i32) -> (i32, i32) {
    %c0_i32 = arith.constant 0 : i32
    %c0_i32_0 = arith.constant 0 : i32
    return %arg0, %c0_i32 : i32, i32
  }
  func.func @transform_1(%arg0: i32) -> (i32, i32, i32) {
    %c0_i32 = arith.constant 0 : i32
    %c0_i32_0 = arith.constant 0 : i32
    %c0_i32_1 = arith.constant 0 : i32
    return %c0_i32, %arg0, %c0_i32_0 : i32, i32, i32
  }
  func.func @transform_2(%arg0: i32) -> (i32, i32, i32) {
    %c1_i32 = arith.constant 1 : i32
    %c0_i32 = arith.constant 0 : i32
    %c0_i32_0 = arith.constant 0 : i32
    return %c1_i32, %arg0, %c0_i32 : i32, i32, i32
  }
  func.func @transform_3(%arg0: i32) -> (i32, i32) {
    %c0_i32 = arith.constant 0 : i32
    %c0_i32_0 = arith.constant 0 : i32
    %c0_i32_1 = arith.constant 0 : i32
    return %c0_i32, %c0_i32_0 : i32, i32
  }
  func.func @transform_4(%arg0: i32) -> (i32, i32) {
    %c0_i32 = arith.constant 0 : i32
    %c0_i32_0 = arith.constant 0 : i32
    %c0_i32_1 = arith.constant 0 : i32
    return %c0_i32, %c0_i32_0 : i32, i32
  }
  func.func @transform_5(%arg0: i32) -> (i32, i32) {
    %c0_i32 = arith.constant 0 : i32
    %c0_i32_0 = arith.constant 0 : i32
    %c0_i32_1 = arith.constant 0 : i32
    return %c0_i32, %c0_i32_0 : i32, i32
  }
  func.func @transform_6(%arg0: i32) -> (i32, i32) {
    %c0_i32 = arith.constant 0 : i32
    %c0_i32_0 = arith.constant 0 : i32
    %c0_i32_1 = arith.constant 0 : i32
    return %c0_i32, %c0_i32_0 : i32, i32
  }
  func.func @transform_7(%arg0: i32) -> (i32, i32) {
    %c0_i32 = arith.constant 0 : i32
    %c0_i32_0 = arith.constant 0 : i32
    return %arg0, %c0_i32 : i32, i32
  }
}

</mosaic_0001>

<sc_bundles>
// kernel: kernel.12.cloned.1.call-start
scs
__scs_entry_jumppad:
0x0: {  	(pc) =	sbr.rel $0x88, $3  }
0x1: {  	(tag) =	ssettag $0x0;
	lr =	simm.s32 $0x1  }
0x2: {  	[smem:$0x3F95] =	sst lr;
	_ =	strace $0xD0000000  }
0x3: {  	_ = 	snop  }
0x4: {  	_ = 	snop  }
0x5: {  	_ = 	snop  }
0x6: {  	_ = 	snop  }
0x7: {  	_ = 	snop  }
__scs_overlays_trampoline_lowered:
0x8: {  	[smem:$0x3FA4] =	sst s0  }
0x9: {  	[smem:$0x3FA5] =	sst s1  }
0xa: {  	[smem:$0x3FA6] =	sst s2  }
0xb: {  	[smem:$0x3FA7] =	sst s3  }
0xc: {  	[smem:$0x3FA8] =	sst s4  }
0xd: {  	[smem:$0x3FA9] =	sst s5  }
0xe: {  	[smem:$0x3FAA] =	sst s6  }
0xf: {  	[smem:$0x3FAB] =	sst s7  }
0x10: {  	[smem:$0x3FAC] =	sst s8  }
0x11: {  	[smem:$0x3FAD] =	sst s9;
	s0 =	simm.s32 @!p0 $0x0  }
0x12: {  	s1 =	sld [smem:$0x3F93];
	s0 =	simm.s32 @p0 $0x1  }
0x13: {  	[smem:$0x3FAE] =	sst s0;
	s0 =	simm.s32 @!p1 $0x0  }
0x14: {  	s2 =	sld [smem:$0x3F92];
	s0 =	simm.s32 @p1 $0x1  }
0x15: {  	[smem:$0x3FAF] =	sst s0;
	s0 =	simm.s32 @!p2 $0x0  }
0x16: {  	s3 =	sld [smem:$0x3FDB];
	s0 =	simm.s32 @p2 $0x1  }
0x17: {  	s4 =	simm.s32 $0x1BF5;
	[smem:$0x3FB1] =	sst s0  }
0x18: {  	s0 =	sld [smem:$0x3F94];
	_ =	swait.ge [sflag:s4], $0x0  }
0x19: {  	s7 =	sld [smem:$0x3F95]  }
0x1a: {  	s8 =	sadd.s32 $0xFFFFE003, lr  }
0x1b: {  	s9 =	sadd.s32 $0xFFFFFEF7, lr;
	s5 =	simm.s32 $0xFFFFFFFF;
	p2 =	slt.u32 s8, $0xFFFFF086  }
0x1c: {  	p1 =	slt.u32 s9, $0xF7A;
	s5 =	simm.s32 @!p2 $0x0  }
0x1d: {  	s5 =	simm.s32 @p1 $0x1;
	p0 =	seq.s32 s7, s2  }
0x1e: {  	s7 =	smul.u32 @!p0 $0xF7A, s2;
	p2 =	seq.s32 @!p0 s5, $0x0  }
0x1f: {  	s9 =	smul.u32 $0xF7A, s1;
	s8 =	simm.s32 @!p0 $0x1BF5;
	p2 =	por !p2, p0  }
0x20: {  	[sflag:s8] =	ssyncset.s32 @!p0 $0xFFFFF086;
	s6 =	sadd.s32 @!p0 s3, s7;
	s7 =	simm.s32 @!p0 $0x108  }
0x21: {  	s3 =	sadd.s32 s3, s9;
	s6 =	sadd.s32 @!p0 $0x88, s6;
	s7 =	simm.s32 @p2 $0x1082  }
0x22: {  	[simem:s7], [sflag:s8] =	dma.local @!p0 [hbm:s6], $0xF7A  }
0x23: {  	s9 =	sor.u32 $0xD0000000, s2;
	s6 =	simm.s32 $0x108;
	_ =	swait.ge @!p0 [sflag:s8], $0x0  }
0x24: {  	s3 =	sadd.s32 $0x88, s3;
	s6 =	simm.s32 @!p1 $0x1082;
	[sflag:s4] =	ssyncset.s32 $0xFFFFF086  }
0x25: {  	[simem:s6], [sflag:s4] =	dma.local [hbm:s3], $0xF7A  }
0x26: {  	[smem:$0x3F95] =	sst s1;
	(tag) =	ssettag s2;
	_ =	strace s9  }
0x27: {  	s1 =	sld [smem:$0x3FA5]  }
0x28: {  	s2 =	sld [smem:$0x3FA6]  }
0x29: {  	s4 =	sld [smem:$0x3FA8]  }
0x2a: {  	p0 =	seq.s32 s5, $0x0;
	s5 =	sld [smem:$0x3FA9]  }
0x2b: {  	s6 =	sld [smem:$0x3FAA]  }
0x2c: {  	s7 =	sld [smem:$0x3FAB]  }
0x2d: {  	s3 =	simm.s32 $0x108;
	s8 =	sld [smem:$0x3FAC]  }
0x2e: {  	s3 =	simm.s32 @!p0 $0x1082;
	s9 =	sld [smem:$0x3FAD]  }
0x2f: {  	lr =	sadd.s32 s0, s3;
	s0 =	sld [smem:$0x3FA4]  }
0x30: {  	s3 =	sld [smem:$0x3FA7]  }
0x31: {  	[smem:$0x3FB0] =	sst s10  }
0x32: {  	s10 =	sld [smem:$0x3FAE];
	_ =	sdelay $0x3  }
0x33: {  	p0 =	seq.s32 s10, $0x1;
	s10 =	sld [smem:$0x3FB0];
	_ =	sdelay $0x3  }
0x34: {  	[smem:$0x3FB0] =	sst s10  }
0x35: {  	s10 =	sld [smem:$0x3FAF];
	_ =	sdelay $0x3  }
0x36: {  	p1 =	seq.s32 s10, $0x1;
	s10 =	sld [smem:$0x3FB0];
	_ =	sdelay $0x3  }
0x37: {  	[smem:$0x3FB0] =	sst s10  }
0x38: {  	s10 =	sld [smem:$0x3FB1]  }
0x39: {  	_ = 	snop;
	(pc) =	sbr.ind lr, $3  }
0x3a: {  	_ = 	snop  }
0x3b: {  	_ = 	snop  }
0x3c: {  	p2 =	seq.s32 s10, $0x1;
	s10 =	sld [smem:$0x3FB0]  }
0x3d: {  	_ =	shalt  }
0x3e: {  	_ =	shalt  }
0x3f: {  	_ =	shalt  }
0x40: {  	_ =	shalt  }
0x41: {  	_ =	shalt  }
0x42: {  	_ =	shalt  }
0x43: {  	_ =	shalt  }
0x44: {  	_ =	shalt  }
0x45: {  	_ =	shalt  }
0x46: {  	_ =	shalt  }
0x47: {  	_ =	shalt  }
0x48: {  	_ =	shalt  }
0x49: {  	_ =	shalt  }
0x4a: {  	_ =	shalt  }
0x4b: {  	_ =	shalt  }
0x4c: {  	_ =	shalt  }
0x4d: {  	_ =	shalt  }
0x4e: {  	_ =	shalt  }
0x4f: {  	_ =	shalt  }
0x50: {  	_ =	shalt  }
0x51: {  	_ =	shalt  }
0x52: {  	_ =	shalt  }
0x53: {  	_ =	shalt  }
0x54: {  	_ =	shalt  }
0x55: {  	_ =	shalt  }
0x56: {  	_ =	shalt  }
0x57: {  	_ =	shalt  }
0x58: {  	_ =	shalt  }
0x59: {  	_ =	shalt  }
0x5a: {  	_ =	shalt  }
0x5b: {  	_ =	shalt  }
0x5c: {  	_ =	shalt  }
0x5d: {  	_ =	shalt  }
0x5e: {  	_ =	shalt  }
0x5f: {  	_ =	shalt  }
0x60: {  	_ =	shalt  }
0x61: {  	_ =	shalt  }
0x62: {  	_ =	shalt  }
0x63: {  	_ =	shalt  }
0x64: {  	_ =	shalt  }
0x65: {  	_ =	shalt  }
0x66: {  	_ =	shalt  }
0x67: {  	_ =	shalt  }
0x68: {  	_ =	shalt  }
0x69: {  	_ =	shalt  }
0x6a: {  	_ =	shalt  }
0x6b: {  	_ =	shalt  }
0x6c: {  	_ =	shalt  }
0x6d: {  	_ =	shalt  }
0x6e: {  	_ =	shalt  }
0x6f: {  	_ =	shalt  }
0x70: {  	_ =	shalt  }
0x71: {  	_ =	shalt  }
0x72: {  	_ =	shalt  }
0x73: {  	_ =	shalt  }
0x74: {  	_ =	shalt  }
0x75: {  	_ =	shalt  }
0x76: {  	_ =	shalt  }
0x77: {  	_ =	shalt  }
0x78: {  	_ =	shalt  }
0x79: {  	_ =	shalt  }
0x7a: {  	_ =	shalt  }
0x7b: {  	_ =	shalt  }
0x7c: {  	_ =	shalt  }
0x7d: {  	_ =	shalt  }
0x7e: {  	_ =	shalt  }
0x7f: {  	_ =	shalt  }
0x80: {  	_ =	shalt  }
0x81: {  	_ =	shalt  }
0x82: {  	_ =	shalt  }
0x83: {  	_ =	shalt  }
0x84: {  	_ =	shalt  }
0x85: {  	_ =	shalt  }
0x86: {  	_ =	shalt  }
0x87: {  	_ =	shalt  }
.Lfunc_end0:
.L_simem_size_0:
called_computation.1_lowered:
.L_overlay_start_0:
0x88: {  	s2 =	sld [smem:$0x3FD9]  }
0x89: {  	s3 =	sld [smem:$0x3FFE];
	_ =	sdelay $0x1  }
0x8a: {  	s1 =	srdreg.scid  }
0x8b: {  	s0 =	sand.u32 $0x1, s1  }
0x8c: {  	s17 =	sshll.u32 s0, $0xA;
	s2 =	sadd.s32 s3, s2  }
0x8d: {  	s2 =	sadd.s32 s2, s17  }
0x8e: {  	[smem:$0x3FBC] =	sst s2  }
0x8f: {  	_ = 	snop  }
0x90: {  	s2 =	sld [smem:$0x3FD0];
	(tm) =	ssettm $0x1  }
0x91: {  	s18 =	sld [smem:$0x3FFB];
	_ =	sdelay $0x3  }
0x92: {  	_ =	strace s18  }
0x93: {  	s3 =	sld [smem:$0x3FFC];
	_ =	sdelay $0x3  }
0x94: {  	_ =	strace s3  }
0x95: {  	s3 =	sld [smem:$0x3FFD];
	_ =	sdelay $0x3  }
0x96: {  	_ =	strace s3  }
0x97: {  	_ =	strace $0x8FFFFFFF  }
0x98: {  	s19 =	sld [smem:$0x3FDB];
	_ =	sdelay $0x1  }
0x99: {  	s4 =	simm.s32 $_scs_section_size  }
0x9a: {  	s5 =	simm.s32 $_size__tile_overlayer_lowered;
	s6 =	simm.s32 $_tile_overlayer_lowered  }
0x9b: {  	s22 =	simm.s32 $0x1BFF;
	s21 =	sshll.u32 s6, $0x1;
	s3 =	sadd.s32 s4, s19  }
0x9c: {  	s7 =	simm.s32 $0x0;
	s20 =	sshll.u32 s5, $0x1;
	s5 =	sadd.s32 s21, s3  }
0x9d: {  	[timem:s7], [sflag:s22] =	dma.local [hbm:s5], s20  }
0x9e: {  	_ =	swait.ge [sflag:s22], s20  }
0x9f: {  	s4 =	ssub.s32 $0x0, s20;
	[sflag:s22] =	ssyncset.done $0x0  }
0xa0: {  	[sflag:s22] =	ssyncadd.s32 s4;
	_ =	sdelay $0x1  }
0xa1: {  	s23 =	simm.s32 $0x1B8B  }
0xa2: {  	_ =	swait.ge [sflag:s23], $0x1  }
0xa3: {  	[sflag:s23] =	ssyncset.done $0x0  }
0xa4: {  	s25 =	simm.s32 $0x1B8E;
	s24 =	sld [smem:$0x3FFE];
	[sflag:s23] =	ssyncadd.s32 $0xFFFFFFFF  }
0xa5: {  	s26 =	simm.s32 $execute0_lowered;
	[smem:$0x3FD2] =	sst s25  }
0xa6: {  	s5 =	sshll.u32 s26, $0x1;
	_ =	strace $0x80000049;
	[dreg:$0x1] =	wrdreg $0xFFFFFFFF  }
0xa7: {  	s28 =	simm.s32 $_size_execute0_lowered;
	s3 =	sadd.s32 s3, s5;
	[dreg:$0x0] =	wrdreg $0x0  }
0xa8: {  	s5 =	sshll.u32 s28, $0x1;
	[dreg:$0x2] =	wrdreg s3  }
0xa9: {  	[dreg:$0x3] =	wrdreg s5  }
0xaa: {  	[dreg:$0x4] =	wrdreg $0xC0  }
0xab: {  	_ =	task [dreg:s7], $0x5FFFF  }
0xac: {  	[dreg:$0x1] =	wrdreg $0xFFFFFFFF  }
0xad: {  	[dreg:$0x0] =	wrdreg $0x60  }
0xae: {  	[dreg:$0x2] =	wrdreg s24  }
0xaf: {  	[dreg:$0x3] =	wrdreg s2  }
0xb0: {  	[dreg:$0x4] =	wrdreg $0x90000  }
0xb1: {  	[dreg:$0x5] =	wrdreg $0x9  }
0xb2: {  	_ =	task.clear_ibuf [dreg:s7], $0x6FFFF;
	_ =	strace $0x90000049  }
0xb3: {  	s29 =	simm.s32 $0x9;
	_ =	strace $0x8000004B  }
0xb4: {  	_ =	swait.ge [sflag:s29], $0x1  }
0xb5: {  	[sflag:s29] =	ssyncadd.s32 $0xFFFFFFFF  }
0xb6: {  	_ =	strace $0x9000004B  }
0xb7: {  	_ =	sfence  }
0xb8: {  	s30 =	sld [smem:$0x0];
	_ =	sdelay $0x2  }
0xb9: {  	s31 =	sshll.u32 s1, $0xD;
	s1 =	sshrl.u32 s1, $0x2  }
0xba: {  	s3 =	sand.u32 $0x4000, s31;
	s1 =	sadd.s32 s1, s30  }
0xbb: {  	s0 =	sor.u32 s3, s0;
	s1 =	sshll.u32 s1, $0x11  }
0xbc: {  	s0 =	sor.u32 s1, s0  }
0xbd: {  	s0 =	sadd.s32 $0x8F2B, s0  }
0xbe: {  	[sflag:s0] =	ssyncadd.remote.s32 $0x1  }
0xbf: {  	_ =	sfence.sel $0xFFFF  }
0xc0: {  	[dreg:$0x0] =	wrdreg $0xFFFFFFFF;
	(pc) =	sbr.abs _section_cstart, $3  }
0xc1: {  	[dreg:$0x1] =	wrdreg $0xFFFFFFFF  }
0xc2: {  	_ =	task.clear_ibuf [dreg:s7], $0x2FFFF;
	_ =	strace $0x9FFFFFFF  }
0xc3: {  	(tm) =	ssettm $0x7FFFFFFF  }
tec
execute0_lowered:
.L_overlay_start_1:
0x0: {  	(tag) =	ssettag $0x1  }
0x1: {  	s6 =	rddreg [dreg:$0x0]  }
0x2: {  	s7 =	rddreg [dreg:$0x1];
	s1 =	srdreg.scid  }
0x3: {  	s0 =	stileid.u32;
	s2 =	rddreg [dreg:$0x2];
	s3 =	simm.s32 $0x0  }
0x4: {  	s16 =	simm.s32 $0x2800;
	s17 =	simm.s32 $0x7D;
	s18 =	simm.s32 $0x5000  }
0x5: {  	s19 =	simm.s32 $0x0;
	s5 =	sand.u32 $0x1, s1;
	s9 =	smul.u32 $0x2780, s0  }
0x6: {  	s4 =	sshll.u32 s0, $0x1;
	s1 =	rddreg [dreg:$0x3];
	s12 =	smul.u32 $0x4F000, s0  }
0x7: {  	[smem:$0x7FF] =	sst s3;
	s13 =	sadd.s32 $0x5B000, s6;
	s30 =	smul.u32 $0x13C00, s0  }
0x8: {  	p0 =	seq.s32 s0, $0xF;
	s4 =	sor.u32 s5, s4;
	s29 =	smul.u32 $0x138800, s5  }
0x9: {  	_ =	strace $0x8000004A;
	s11 =	ssub.s32 $0x2, s5;
	s8 =	smul.u32 $0x500, s4  }
0xa: {  	s4 =	sadd.s32 $0xCC00, s6;
	s14 =	sshrl.u32 s11, $0x1;
	s12 =	sshrl.u32 s12, $0x2  }
0xb: {  	s9 =	sadd.s32 s9, s6;
	s11 =	ssub.s32 s11, s14;
	s15 =	sadd.s32 s12, s2  }
0xc: {  	s5 =	sadd.s32 $0x33E00, s9;
	s12 =	sadd.s32 $0x128400, s2;
	s9 =	sadd.s32 s30, s29  }
0xd: {  	s31 =	sshrl.u32 s29, $0x3;
	s10 =	sadd.s32 s8, s6;
	s6 =	sadd.s32 $0x58E80, s6  }
0xe: {  	s7 =	sadd.s32 s7, s8;
	s9 =	sshrl.u32 s9, $0x3;
	s11 =	smax.u32 s11, $0x1  }
0xf: {  	s12 =	sshrl.u32 @p0 s12, $0x3;
	s14 =	sshrl.u32 @!p0 s15, $0x3;
	s8 =	sadd.s32 $0x2C00, s10  }
0x10: {  	s10 =	sadd.s32 s13, s31;
	s9 =	sadd.s32 s13, s9;
	s13 =	sshll.u32 @!p0 s0, $0x6  }
0x11: {  	s15 =	simm.s32 $0x1;
	s10 =	sadd.s32 $0x25080, s10;
	s13 =	sor.u32 @!p0 $0x1C01, s13  }
.LBB2_1:
0x12: {  	s20 =	simm.s32 @p0 $0x1FC1  }
0x13: {  	[spmem:s12], [sflag:s20] =	dma.local @p0 [hbm:s6], $0x2080  }
0x14: {  	s20 =	simm.s32 @p0 $0x1  }
0x15: {  	_ =	swait.ge @p0 [sflag:s20], $0x2080  }
0x16: {  	[sflag:s20] =	ssyncset.done @p0 $0x0  }
0x17: {  	[sflag:s20] =	ssyncadd.s32 @p0 $0xFFFFDF80;
	s20 =	simm.s32 @!p0 $0x1  }
0x18: {  	[spmem:s14], [sflag:s13] =	dma.local @!p0 [hbm:s5], $0x2780  }
0x19: {  	_ =	swait.ge @!p0 [sflag:s20], $0x2780  }
0x1a: {  	[sflag:s20] =	ssyncset.done @!p0 $0x0  }
0x1b: {  	[sflag:s20] =	ssyncadd.s32 @!p0 $0xFFFFD880  }
0x1c: {  	[tilespmem:s3], [sflag:$0x1] =	stream.linear.gather [hbm4b:s7+s3], $0x2800, $0x38;
	[tilespmem:$0x1C880] =	vst v63  }
0x1d: {  	_ =	swait.ge [sflag:s15], $0x2800  }
0x1e: {  	[sflag:s15] =	ssyncset.done $0x0  }
0x1f: {  	[sflag:s15] =	ssyncadd.s32 $0xFFFFD800  }
0x20: {  	[tilespmem:s16], [sflag:$0x1] =	stream.linear.gather [hbm4b:s8+s3], $0x2800, $0x38;
	[tilespmem:$0x1C880] =	vst v63  }
0x21: {  	_ =	swait.ge [sflag:s15], $0x2800  }
0x22: {  	[sflag:s15] =	ssyncset.done $0x0  }
0x23: {  	[sflag:s15] =	ssyncadd.s32 $0xFFFFD800  }
0x24: {  	s30 =	simm.s32 $0x0;
	[bflag:$0x0] =	sbarrier.arrive $0xFFFF  }
0x25: {  	[tilespmem:s18], [sflag:$0x1] =	stream.indirect.gather [hbm4b:s4+s17], $0x80, s30, s17, $0xb8;
	[tilespmem:$0x1C880] =	vst v63  }
0x26: {  	_ =	swait.ge [sflag:s15], $0x3E80  }
0x27: {  	[sflag:s15] =	ssyncset.done $0x0  }
0x28: {  	s31 =	simm.s32 $0x2800;
	[sflag:s15] =	ssyncadd.s32 $0xFFFFC180  }
0x29: {  	[spmem:s2] =	stream.indirect.scatter.add.f32 [tilespmem:s18], [sflag:$0x1], $0x80, s31, s17, $0xb8;
	[tilespmem:$0x1C880] =	vst v63  }
0x2a: {  	_ =	swait.ge [sflag:s15], $0x3E80  }
0x2b: {  	s21 =	simm.s32 $0x400;
	s20 =	simm.s32 $0x200;
	[sflag:s15] =	ssyncset.done $0x0  }
.LBB2_2:
0x2c: {  	s22 =	sshra.s32 s20, $0x2  }
0x2d: {  	[sflag:s15] =	ssyncadd.s32 $0xFFFFC180;
	s20 =	smov.u32 s21;
	s23 =	sadd.s32 $0x200, s21  }
0x2e: {  	[tilespmem:s18], [sflag:$0x1] =	stream.indirect.gather [hbm4b:s4+s17], $0x80, s22, s17, $0xb8;
	[tilespmem:$0x1C880] =	vst v63  }
0x2f: {  	p1 =	sne.s32 s21, $0x9E00;
	_ =	swait.ge [sflag:s15], $0x3E80  }
.Ltmp0:
0x30: {  	[sflag:s15] =	ssyncset.done $0x0;
	(pc) =	sbr.rel @p1 .LBB2_2-.Ltmp0, $4  }
0x31: {  	s21 =	sadd.s32 $0x2800, s22;
	[sflag:s15] =	ssyncadd.s32 $0xFFFFC180  }
0x32: {  	[spmem:s2] =	stream.indirect.scatter.add.f32 [tilespmem:s18], [sflag:$0x1], $0x80, s21, s17, $0xb8;
	[tilespmem:$0x1C880] =	vst v63  }
0x33: {  	_ =	swait.ge [sflag:s15], $0x3E80  }
0x34: {  	s21 =	smov.u32 s23;
	[sflag:s15] =	ssyncset.done $0x0  }
0x35: {  	s20 =	sshra.s32 s20, $0x2;
	[sflag:s15] =	ssyncadd.s32 $0xFFFFC180  }
0x36: {  	[tilespmem:s18], [sflag:$0x1] =	stream.indirect.gather [hbm4b:s4+s17], $0x80, s20, s17, $0xb8;
	[tilespmem:$0x1C880] =	vst v63  }
0x37: {  	_ =	swait.ge [sflag:s15], $0x3E80  }
0x38: {  	[sflag:s15] =	ssyncset.done $0x0  }
0x39: {  	s20 =	sadd.s32 $0x2800, s20;
	[sflag:s15] =	ssyncadd.s32 $0xFFFFC180  }
0x3a: {  	[spmem:s2] =	stream.indirect.scatter.add.f32 [tilespmem:s18], [sflag:$0x1], $0x80, s20, s17, $0xb8;
	[tilespmem:$0x1C880] =	vst v63  }
0x3b: {  	_ =	swait.ge [sflag:s15], $0x3E80  }
0x3c: {  	[sflag:s15] =	ssyncset.done $0x0  }
0x3d: {  	[sflag:s15] =	ssyncadd.s32 $0xFFFFC180  }
0x3e: {  	s20 =	simm.s32 @p0 $0x1FC1;
	[bflag:$0x0] =	sbarrier.arrive $0xFFFF  }
0x3f: {  	[hbm:s10], [sflag:s20] =	dma.local @p0 [spmem:s12], $0x2080  }
0x40: {  	s20 =	simm.s32 @p0 $0x1  }
0x41: {  	s19 =	sadd.s32 $0x1, s19;
	_ =	swait.ge @p0 [sflag:s20], $0x2080  }
0x42: {  	p1 =	sne.s32 s19, s11;
	[sflag:s20] =	ssyncset.done @p0 $0x0  }
.Ltmp1:
0x43: {  	[sflag:s20] =	ssyncadd.s32 @p0 $0xFFFFDF80;
	s20 =	simm.s32 @!p0 $0x1;
	(pc) =	sbr.rel @p1 .LBB2_1-.Ltmp1, $4  }
0x44: {  	[hbm:s9], [sflag:s13] =	dma.local @!p0 [spmem:s14], $0x2780  }
0x45: {  	_ =	swait.ge @!p0 [sflag:s20], $0x2780  }
0x46: {  	[sflag:s20] =	ssyncset.done @!p0 $0x0  }
0x47: {  	[sflag:s20] =	ssyncadd.s32 @!p0 $0xFFFFD880  }
0x48: {  	_ =	sfence.sel $0x180000  }
0x49: {  	[bflag:$0x0] =	sbarrier.arrive $0xFFFF  }
0x4a: {  	p0 =	sne.s32 s0, $0x0;
	_ =	strace $0x9000004A  }
0x4b: {  	s0 =	sadd.s32 @!p0 $0x100000, s1;
	[bflag:$0x2] =	sbarrier.arrive $0xFFFF  }
0x4c: {  	[sflag:s0] =	ssyncadd.tile.s32 @!p0 $0x1;
	_ =	shalt  }
.Lfunc_end2:
_tile_overlayer_lowered:
.L_overlay_start_2:
0x4d: {  	(tag) =	ssettag $0x2  }
0x4e: {  	s0 =	rddreg [dreg:$0x0];
	s2 =	stileid.u32  }
0x4f: {  	s1 =	rddreg [dreg:$0x1];
	p0 =	sne.s32 s2, $0x0  }
0x50: {  	s3 =	rddreg [dreg:$0x2];
	[bflag:$0x3] =	sbarrier.arrive $0xFFFF;
	s2 =	simm.s32 @!p0 $0x1C01  }
0x51: {  	[timem:s3], [sflag:s2] =	dma.local @!p0 [hbm:s0], s1  }
0x52: {  	s0 =	simm.s32 @!p0 $0x1  }
0x53: {  	_ =	swait.ge @!p0 [sflag:s0], s1  }
0x54: {  	s1 =	ssub.s32 @!p0 $0x0, s1;
	[sflag:s0] =	ssyncset.done @!p0 $0x0  }
0x55: {  	[sflag:s0] =	ssyncadd.s32 @!p0 s1  }
0x56: {  	[bflag:$0x3] =	sbarrier.arrive $0xFFFF  }
0x57: {  	_ =	shalt  }

// kernel: kernel.15.cloned.1.call-start
scs
__scs_entry_jumppad:
0x0: {  	(pc) =	sbr.rel $0x88, $3  }
0x1: {  	(tag) =	ssettag $0x0;
	lr =	simm.s32 $0x1  }
0x2: {  	[smem:$0x3F95] =	sst lr;
	_ =	strace $0xD0000000  }
0x3: {  	_ = 	snop  }
0x4: {  	_ = 	snop  }
0x5: {  	_ = 	snop  }
0x6: {  	_ = 	snop  }
0x7: {  	_ = 	snop  }
__scs_overlays_trampoline_lowered:
0x8: {  	[smem:$0x3FA4] =	sst s0  }
0x9: {  	[smem:$0x3FA5] =	sst s1  }
0xa: {  	[smem:$0x3FA6] =	sst s2  }
0xb: {  	[smem:$0x3FA7] =	sst s3  }
0xc: {  	[smem:$0x3FA8] =	sst s4  }
0xd: {  	[smem:$0x3FA9] =	sst s5  }
0xe: {  	[smem:$0x3FAA] =	sst s6  }
0xf: {  	[smem:$0x3FAB] =	sst s7  }
0x10: {  	[smem:$0x3FAC] =	sst s8  }
0x11: {  	[smem:$0x3FAD] =	sst s9;
	s0 =	simm.s32 @!p0 $0x0  }
0x12: {  	s1 =	sld [smem:$0x3F93];
	s0 =	simm.s32 @p0 $0x1  }
0x13: {  	[smem:$0x3FAE] =	sst s0;
	s0 =	simm.s32 @!p1 $0x0  }
0x14: {  	s2 =	sld [smem:$0x3F92];
	s0 =	simm.s32 @p1 $0x1  }
0x15: {  	[smem:$0x3FAF] =	sst s0;
	s0 =	simm.s32 @!p2 $0x0  }
0x16: {  	s3 =	sld [smem:$0x3FDB];
	s0 =	simm.s32 @p2 $0x1  }
0x17: {  	s4 =	simm.s32 $0x1BF5;
	[smem:$0x3FB1] =	sst s0  }
0x18: {  	s0 =	sld [smem:$0x3F94];
	_ =	swait.ge [sflag:s4], $0x0  }
0x19: {  	s7 =	sld [smem:$0x3F95]  }
0x1a: {  	s8 =	sadd.s32 $0xFFFFE003, lr  }
0x1b: {  	s9 =	sadd.s32 $0xFFFFFEF7, lr;
	s5 =	simm.s32 $0xFFFFFFFF;
	p2 =	slt.u32 s8, $0xFFFFF086  }
0x1c: {  	p1 =	slt.u32 s9, $0xF7A;
	s5 =	simm.s32 @!p2 $0x0  }
0x1d: {  	s5 =	simm.s32 @p1 $0x1;
	p0 =	seq.s32 s7, s2  }
0x1e: {  	s7 =	smul.u32 @!p0 $0xF7A, s2;
	p2 =	seq.s32 @!p0 s5, $0x0  }
0x1f: {  	s9 =	smul.u32 $0xF7A, s1;
	s8 =	simm.s32 @!p0 $0x1BF5;
	p2 =	por !p2, p0  }
0x20: {  	[sflag:s8] =	ssyncset.s32 @!p0 $0xFFFFF086;
	s6 =	sadd.s32 @!p0 s3, s7;
	s7 =	simm.s32 @!p0 $0x108  }
0x21: {  	s3 =	sadd.s32 s3, s9;
	s6 =	sadd.s32 @!p0 $0x88, s6;
	s7 =	simm.s32 @p2 $0x1082  }
0x22: {  	[simem:s7], [sflag:s8] =	dma.local @!p0 [hbm:s6], $0xF7A  }
0x23: {  	s9 =	sor.u32 $0xD0000000, s2;
	s6 =	simm.s32 $0x108;
	_ =	swait.ge @!p0 [sflag:s8], $0x0  }
0x24: {  	s3 =	sadd.s32 $0x88, s3;
	s6 =	simm.s32 @!p1 $0x1082;
	[sflag:s4] =	ssyncset.s32 $0xFFFFF086  }
0x25: {  	[simem:s6], [sflag:s4] =	dma.local [hbm:s3], $0xF7A  }
0x26: {  	[smem:$0x3F95] =	sst s1;
	(tag) =	ssettag s2;
	_ =	strace s9  }
0x27: {  	s1 =	sld [smem:$0x3FA5]  }
0x28: {  	s2 =	sld [smem:$0x3FA6]  }
0x29: {  	s4 =	sld [smem:$0x3FA8]  }
0x2a: {  	p0 =	seq.s32 s5, $0x0;
	s5 =	sld [smem:$0x3FA9]  }
0x2b: {  	s6 =	sld [smem:$0x3FAA]  }
0x2c: {  	s7 =	sld [smem:$0x3FAB]  }
0x2d: {  	s3 =	simm.s32 $0x108;
	s8 =	sld [smem:$0x3FAC]  }
0x2e: {  	s3 =	simm.s32 @!p0 $0x1082;
	s9 =	sld [smem:$0x3FAD]  }
0x2f: {  	lr =	sadd.s32 s0, s3;
	s0 =	sld [smem:$0x3FA4]  }
0x30: {  	s3 =	sld [smem:$0x3FA7]  }
0x31: {  	[smem:$0x3FB0] =	sst s10  }
0x32: {  	s10 =	sld [smem:$0x3FAE];
	_ =	sdelay $0x3  }
0x33: {  	p0 =	seq.s32 s10, $0x1;
	s10 =	sld [smem:$0x3FB0];
	_ =	sdelay $0x3  }
0x34: {  	[smem:$0x3FB0] =	sst s10  }
0x35: {  	s10 =	sld [smem:$0x3FAF];
	_ =	sdelay $0x3  }
0x36: {  	p1 =	seq.s32 s10, $0x1;
	s10 =	sld [smem:$0x3FB0];
	_ =	sdelay $0x3  }
0x37: {  	[smem:$0x3FB0] =	sst s10  }
0x38: {  	s10 =	sld [smem:$0x3FB1]  }
0x39: {  	_ = 	snop;
	(pc) =	sbr.ind lr, $3  }
0x3a: {  	_ = 	snop  }
0x3b: {  	_ = 	snop  }
0x3c: {  	p2 =	seq.s32 s10, $0x1;
	s10 =	sld [smem:$0x3FB0]  }
0x3d: {  	_ =	shalt  }
0x3e: {  	_ =	shalt  }
0x3f: {  	_ =	shalt  }
0x40: {  	_ =	shalt  }
0x41: {  	_ =	shalt  }
0x42: {  	_ =	shalt  }
0x43: {  	_ =	shalt  }
0x44: {  	_ =	shalt  }
0x45: {  	_ =	shalt  }
0x46: {  	_ =	shalt  }
0x47: {  	_ =	shalt  }
0x48: {  	_ =	shalt  }
0x49: {  	_ =	shalt  }
0x4a: {  	_ =	shalt  }
0x4b: {  	_ =	shalt  }
0x4c: {  	_ =	shalt  }
0x4d: {  	_ =	shalt  }
0x4e: {  	_ =	shalt  }
0x4f: {  	_ =	shalt  }
0x50: {  	_ =	shalt  }
0x51: {  	_ =	shalt  }
0x52: {  	_ =	shalt  }
0x53: {  	_ =	shalt  }
0x54: {  	_ =	shalt  }
0x55: {  	_ =	shalt  }
0x56: {  	_ =	shalt  }
0x57: {  	_ =	shalt  }
0x58: {  	_ =	shalt  }
0x59: {  	_ =	shalt  }
0x5a: {  	_ =	shalt  }
0x5b: {  	_ =	shalt  }
0x5c: {  	_ =	shalt  }
0x5d: {  	_ =	shalt  }
0x5e: {  	_ =	shalt  }
0x5f: {  	_ =	shalt  }
0x60: {  	_ =	shalt  }
0x61: {  	_ =	shalt  }
0x62: {  	_ =	shalt  }
0x63: {  	_ =	shalt  }
0x64: {  	_ =	shalt  }
0x65: {  	_ =	shalt  }
0x66: {  	_ =	shalt  }
0x67: {  	_ =	shalt  }
0x68: {  	_ =	shalt  }
0x69: {  	_ =	shalt  }
0x6a: {  	_ =	shalt  }
0x6b: {  	_ =	shalt  }
0x6c: {  	_ =	shalt  }
0x6d: {  	_ =	shalt  }
0x6e: {  	_ =	shalt  }
0x6f: {  	_ =	shalt  }
0x70: {  	_ =	shalt  }
0x71: {  	_ =	shalt  }
0x72: {  	_ =	shalt  }
0x73: {  	_ =	shalt  }
0x74: {  	_ =	shalt  }
0x75: {  	_ =	shalt  }
0x76: {  	_ =	shalt  }
0x77: {  	_ =	shalt  }
0x78: {  	_ =	shalt  }
0x79: {  	_ =	shalt  }
0x7a: {  	_ =	shalt  }
0x7b: {  	_ =	shalt  }
0x7c: {  	_ =	shalt  }
0x7d: {  	_ =	shalt  }
0x7e: {  	_ =	shalt  }
0x7f: {  	_ =	shalt  }
0x80: {  	_ =	shalt  }
0x81: {  	_ =	shalt  }
0x82: {  	_ =	shalt  }
0x83: {  	_ =	shalt  }
0x84: {  	_ =	shalt  }
0x85: {  	_ =	shalt  }
0x86: {  	_ =	shalt  }
0x87: {  	_ =	shalt  }
.Lfunc_end0:
.L_simem_size_0:
called_computation.2_lowered:
.L_overlay_start_0:
0x88: {  	s2 =	sld [smem:$0x3FD9]  }
0x89: {  	s3 =	sld [smem:$0x3FFE];
	_ =	sdelay $0x1  }
0x8a: {  	s1 =	srdreg.scid  }
0x8b: {  	s0 =	sand.u32 $0x1, s1  }
0x8c: {  	s17 =	sshll.u32 s0, $0xA;
	s2 =	sadd.s32 s3, s2  }
0x8d: {  	s2 =	sadd.s32 s2, s17  }
0x8e: {  	[smem:$0x3FBC] =	sst s2  }
0x8f: {  	_ = 	snop  }
0x90: {  	s2 =	sld [smem:$0x3FD0];
	(tm) =	ssettm $0x1  }
0x91: {  	s18 =	sld [smem:$0x3FFB];
	_ =	sdelay $0x3  }
0x92: {  	_ =	strace s18  }
0x93: {  	s3 =	sld [smem:$0x3FFC];
	_ =	sdelay $0x3  }
0x94: {  	_ =	strace s3  }
0x95: {  	s3 =	sld [smem:$0x3FFD];
	_ =	sdelay $0x3  }
0x96: {  	_ =	strace s3  }
0x97: {  	_ =	strace $0x8FFFFFFF  }
0x98: {  	s19 =	sld [smem:$0x3FDB];
	_ =	sdelay $0x1  }
0x99: {  	s4 =	simm.s32 $_scs_section_size  }
0x9a: {  	s5 =	simm.s32 $_size__tile_overlayer_lowered;
	s6 =	simm.s32 $_tile_overlayer_lowered  }
0x9b: {  	s22 =	simm.s32 $0x1BFF;
	s21 =	sshll.u32 s6, $0x1;
	s3 =	sadd.s32 s4, s19  }
0x9c: {  	s7 =	simm.s32 $0x0;
	s20 =	sshll.u32 s5, $0x1;
	s5 =	sadd.s32 s21, s3  }
0x9d: {  	[timem:s7], [sflag:s22] =	dma.local [hbm:s5], s20  }
0x9e: {  	_ =	swait.ge [sflag:s22], s20  }
0x9f: {  	s4 =	ssub.s32 $0x0, s20;
	[sflag:s22] =	ssyncset.done $0x0  }
0xa0: {  	[sflag:s22] =	ssyncadd.s32 s4;
	_ =	sdelay $0x1  }
0xa1: {  	s23 =	simm.s32 $0x1B8B  }
0xa2: {  	_ =	swait.ge [sflag:s23], $0x1  }
0xa3: {  	[sflag:s23] =	ssyncset.done $0x0  }
0xa4: {  	s25 =	simm.s32 $0x1B8E;
	s24 =	sld [smem:$0x3FFE];
	[sflag:s23] =	ssyncadd.s32 $0xFFFFFFFF  }
0xa5: {  	s26 =	simm.s32 $execute0_lowered;
	[smem:$0x3FD2] =	sst s25  }
0xa6: {  	s5 =	sshll.u32 s26, $0x1;
	_ =	strace $0x8000004C;
	[dreg:$0x1] =	wrdreg $0xFFFFFFFF  }
0xa7: {  	s28 =	simm.s32 $_size_execute0_lowered;
	s3 =	sadd.s32 s3, s5;
	[dreg:$0x0] =	wrdreg $0x0  }
0xa8: {  	s5 =	sshll.u32 s28, $0x1;
	[dreg:$0x2] =	wrdreg s3  }
0xa9: {  	[dreg:$0x3] =	wrdreg s5  }
0xaa: {  	[dreg:$0x4] =	wrdreg $0xC0  }
0xab: {  	_ =	task [dreg:s7], $0x5FFFF  }
0xac: {  	[dreg:$0x1] =	wrdreg $0xFFFFFFFF  }
0xad: {  	[dreg:$0x0] =	wrdreg $0x60  }
0xae: {  	[dreg:$0x2] =	wrdreg s24  }
0xaf: {  	[dreg:$0x3] =	wrdreg s2  }
0xb0: {  	[dreg:$0x4] =	wrdreg $0x90000  }
0xb1: {  	[dreg:$0x5] =	wrdreg $0x9  }
0xb2: {  	_ =	task.clear_ibuf [dreg:s7], $0x6FFFF;
	_ =	strace $0x9000004C  }
0xb3: {  	s29 =	simm.s32 $0x9;
	_ =	strace $0x8000004E  }
0xb4: {  	_ =	swait.ge [sflag:s29], $0x1  }
0xb5: {  	[sflag:s29] =	ssyncadd.s32 $0xFFFFFFFF  }
0xb6: {  	_ =	strace $0x9000004E  }
0xb7: {  	_ =	sfence  }
0xb8: {  	s30 =	sld [smem:$0x0];
	_ =	sdelay $0x2  }
0xb9: {  	s31 =	sshll.u32 s1, $0xD;
	s1 =	sshrl.u32 s1, $0x2  }
0xba: {  	s3 =	sand.u32 $0x4000, s31;
	s1 =	sadd.s32 s1, s30  }
0xbb: {  	s0 =	sor.u32 s3, s0;
	s1 =	sshll.u32 s1, $0x11  }
0xbc: {  	s0 =	sor.u32 s1, s0  }
0xbd: {  	s0 =	sadd.s32 $0x8F2B, s0  }
0xbe: {  	[sflag:s0] =	ssyncadd.remote.s32 $0x1  }
0xbf: {  	_ =	sfence.sel $0xFFFF  }
0xc0: {  	[dreg:$0x0] =	wrdreg $0xFFFFFFFF;
	(pc) =	sbr.abs _section_cstart, $3  }
0xc1: {  	[dreg:$0x1] =	wrdreg $0xFFFFFFFF  }
0xc2: {  	_ =	task.clear_ibuf [dreg:s7], $0x2FFFF;
	_ =	strace $0x9FFFFFFF  }
0xc3: {  	(tm) =	ssettm $0x7FFFFFFF  }
tec
execute0_lowered:
.L_overlay_start_1:
0x0: {  	(tag) =	ssettag $0x1  }
0x1: {  	s6 =	rddreg [dreg:$0x0]  }
0x2: {  	s7 =	rddreg [dreg:$0x1];
	s1 =	srdreg.scid  }
0x3: {  	s0 =	stileid.u32;
	s2 =	rddreg [dreg:$0x2];
	s3 =	simm.s32 $0x0  }
0x4: {  	s16 =	simm.s32 $0x2800;
	s17 =	simm.s32 $0x7D;
	s18 =	simm.s32 $0x5000  }
0x5: {  	s19 =	simm.s32 $0x0;
	s5 =	sand.u32 $0x1, s1;
	s9 =	smul.u32 $0x2780, s0  }
0x6: {  	s4 =	sshll.u32 s0, $0x1;
	s1 =	rddreg [dreg:$0x3];
	s12 =	smul.u32 $0x4F000, s0  }
0x7: {  	[smem:$0x7FF] =	sst s3;
	s13 =	sadd.s32 $0x5B000, s6;
	s30 =	smul.u32 $0x13C00, s0  }
0x8: {  	p0 =	seq.s32 s0, $0xF;
	s4 =	sor.u32 s5, s4;
	s29 =	smul.u32 $0x138800, s5  }
0x9: {  	_ =	strace $0x8000004D;
	s11 =	ssub.s32 $0x2, s5;
	s8 =	smul.u32 $0x500, s4  }
0xa: {  	s4 =	sadd.s32 $0xCC00, s6;
	s14 =	sshrl.u32 s11, $0x1;
	s12 =	sshrl.u32 s12, $0x2  }
0xb: {  	s9 =	sadd.s32 s9, s6;
	s11 =	ssub.s32 s11, s14;
	s15 =	sadd.s32 s12, s2  }
0xc: {  	s5 =	sadd.s32 $0x33E00, s9;
	s12 =	sadd.s32 $0x128400, s2;
	s9 =	sadd.s32 s30, s29  }
0xd: {  	s31 =	sshrl.u32 s29, $0x3;
	s10 =	sadd.s32 s8, s6;
	s6 =	sadd.s32 $0x58E80, s6  }
0xe: {  	s7 =	sadd.s32 s7, s8;
	s9 =	sshrl.u32 s9, $0x3;
	s11 =	smax.u32 s11, $0x1  }
0xf: {  	s12 =	sshrl.u32 @p0 s12, $0x3;
	s14 =	sshrl.u32 @!p0 s15, $0x3;
	s8 =	sadd.s32 $0x2C00, s10  }
0x10: {  	s10 =	sadd.s32 s13, s31;
	s9 =	sadd.s32 s13, s9;
	s13 =	sshll.u32 @!p0 s0, $0x6  }
0x11: {  	s15 =	simm.s32 $0x1;
	s10 =	sadd.s32 $0x25080, s10;
	s13 =	sor.u32 @!p0 $0x1C01, s13  }
.LBB2_1:
0x12: {  	s20 =	simm.s32 @p0 $0x1FC1  }
0x13: {  	[spmem:s12], [sflag:s20] =	dma.local @p0 [hbm:s6], $0x2080  }
0x14: {  	s20 =	simm.s32 @p0 $0x1  }
0x15: {  	_ =	swait.ge @p0 [sflag:s20], $0x2080  }
0x16: {  	[sflag:s20] =	ssyncset.done @p0 $0x0  }
0x17: {  	[sflag:s20] =	ssyncadd.s32 @p0 $0xFFFFDF80;
	s20 =	simm.s32 @!p0 $0x1  }
0x18: {  	[spmem:s14], [sflag:s13] =	dma.local @!p0 [hbm:s5], $0x2780  }
0x19: {  	_ =	swait.ge @!p0 [sflag:s20], $0x2780  }
0x1a: {  	[sflag:s20] =	ssyncset.done @!p0 $0x0  }
0x1b: {  	[sflag:s20] =	ssyncadd.s32 @!p0 $0xFFFFD880  }
0x1c: {  	[tilespmem:s3], [sflag:$0x1] =	stream.linear.gather [hbm4b:s7+s3], $0x2800, $0x38;
	[tilespmem:$0x1C880] =	vst v63  }
0x1d: {  	_ =	swait.ge [sflag:s15], $0x2800  }
0x1e: {  	[sflag:s15] =	ssyncset.done $0x0  }
0x1f: {  	[sflag:s15] =	ssyncadd.s32 $0xFFFFD800  }
0x20: {  	[tilespmem:s16], [sflag:$0x1] =	stream.linear.gather [hbm4b:s8+s3], $0x2800, $0x38;
	[tilespmem:$0x1C880] =	vst v63  }
0x21: {  	_ =	swait.ge [sflag:s15], $0x2800  }
0x22: {  	[sflag:s15] =	ssyncset.done $0x0  }
0x23: {  	[sflag:s15] =	ssyncadd.s32 $0xFFFFD800  }
0x24: {  	s30 =	simm.s32 $0x0;
	[bflag:$0x0] =	sbarrier.arrive $0xFFFF  }
0x25: {  	[tilespmem:s18], [sflag:$0x1] =	stream.indirect.gather [hbm4b:s4+s17], $0x80, s30, s17, $0xb8;
	[tilespmem:$0x1C880] =	vst v63  }
0x26: {  	_ =	swait.ge [sflag:s15], $0x3E80  }
0x27: {  	[sflag:s15] =	ssyncset.done $0x0  }
0x28: {  	s31 =	simm.s32 $0x2800;
	[sflag:s15] =	ssyncadd.s32 $0xFFFFC180  }
0x29: {  	[spmem:s2] =	stream.indirect.scatter.add.f32 [tilespmem:s18], [sflag:$0x1], $0x80, s31, s17, $0xb8;
	[tilespmem:$0x1C880] =	vst v63  }
0x2a: {  	_ =	swait.ge [sflag:s15], $0x3E80  }
0x2b: {  	s21 =	simm.s32 $0x400;
	s20 =	simm.s32 $0x200;
	[sflag:s15] =	ssyncset.done $0x0  }
.LBB2_2:
0x2c: {  	s22 =	sshra.s32 s20, $0x2  }
0x2d: {  	[sflag:s15] =	ssyncadd.s32 $0xFFFFC180;
	s20 =	smov.u32 s21;
	s23 =	sadd.s32 $0x200, s21  }
0x2e: {  	[tilespmem:s18], [sflag:$0x1] =	stream.indirect.gather [hbm4b:s4+s17], $0x80, s22, s17, $0xb8;
	[tilespmem:$0x1C880] =	vst v63  }
0x2f: {  	p1 =	sne.s32 s21, $0x9E00;
	_ =	swait.ge [sflag:s15], $0x3E80  }
.Ltmp0:
0x30: {  	[sflag:s15] =	ssyncset.done $0x0;
	(pc) =	sbr.rel @p1 .LBB2_2-.Ltmp0, $4  }
0x31: {  	s21 =	sadd.s32 $0x2800, s22;
	[sflag:s15] =	ssyncadd.s32 $0xFFFFC180  }
0x32: {  	[spmem:s2] =	stream.indirect.scatter.add.f32 [tilespmem:s18], [sflag:$0x1], $0x80, s21, s17, $0xb8;
	[tilespmem:$0x1C880] =	vst v63  }
0x33: {  	_ =	swait.ge [sflag:s15], $0x3E80  }
0x34: {  	s21 =	smov.u32 s23;
	[sflag:s15] =	ssyncset.done $0x0  }
0x35: {  	s20 =	sshra.s32 s20, $0x2;
	[sflag:s15] =	ssyncadd.s32 $0xFFFFC180  }
0x36: {  	[tilespmem:s18], [sflag:$0x1] =	stream.indirect.gather [hbm4b:s4+s17], $0x80, s20, s17, $0xb8;
	[tilespmem:$0x1C880] =	vst v63  }
0x37: {  	_ =	swait.ge [sflag:s15], $0x3E80  }
0x38: {  	[sflag:s15] =	ssyncset.done $0x0  }
0x39: {  	s20 =	sadd.s32 $0x2800, s20;
	[sflag:s15] =	ssyncadd.s32 $0xFFFFC180  }
0x3a: {  	[spmem:s2] =	stream.indirect.scatter.add.f32 [tilespmem:s18], [sflag:$0x1], $0x80, s20, s17, $0xb8;
	[tilespmem:$0x1C880] =	vst v63  }
0x3b: {  	_ =	swait.ge [sflag:s15], $0x3E80  }
0x3c: {  	[sflag:s15] =	ssyncset.done $0x0  }
0x3d: {  	[sflag:s15] =	ssyncadd.s32 $0xFFFFC180  }
0x3e: {  	s20 =	simm.s32 @p0 $0x1FC1;
	[bflag:$0x0] =	sbarrier.arrive $0xFFFF  }
0x3f: {  	[hbm:s10], [sflag:s20] =	dma.local @p0 [spmem:s12], $0x2080  }
0x40: {  	s20 =	simm.s32 @p0 $0x1  }
0x41: {  	s19 =	sadd.s32 $0x1, s19;
	_ =	swait.ge @p0 [sflag:s20], $0x2080  }
0x42: {  	p1 =	sne.s32 s19, s11;
	[sflag:s20] =	ssyncset.done @p0 $0x0  }
.Ltmp1:
0x43: {  	[sflag:s20] =	ssyncadd.s32 @p0 $0xFFFFDF80;
	s20 =	simm.s32 @!p0 $0x1;
	(pc) =	sbr.rel @p1 .LBB2_1-.Ltmp1, $4  }
0x44: {  	[hbm:s9], [sflag:s13] =	dma.local @!p0 [spmem:s14], $0x2780  }
0x45: {  	_ =	swait.ge @!p0 [sflag:s20], $0x2780  }
0x46: {  	[sflag:s20] =	ssyncset.done @!p0 $0x0  }
0x47: {  	[sflag:s20] =	ssyncadd.s32 @!p0 $0xFFFFD880  }
0x48: {  	_ =	sfence.sel $0x180000  }
0x49: {  	[bflag:$0x0] =	sbarrier.arrive $0xFFFF  }
0x4a: {  	p0 =	sne.s32 s0, $0x0;
	_ =	strace $0x9000004D  }
0x4b: {  	s0 =	sadd.s32 @!p0 $0x100000, s1;
	[bflag:$0x2] =	sbarrier.arrive $0xFFFF  }
0x4c: {  	[sflag:s0] =	ssyncadd.tile.s32 @!p0 $0x1;
	_ =	shalt  }
.Lfunc_end2:
_tile_overlayer_lowered:
.L_overlay_start_2:
0x4d: {  	(tag) =	ssettag $0x2  }
0x4e: {  	s0 =	rddreg [dreg:$0x0];
	s2 =	stileid.u32  }
0x4f: {  	s1 =	rddreg [dreg:$0x1];
	p0 =	sne.s32 s2, $0x0  }
0x50: {  	s3 =	rddreg [dreg:$0x2];
	[bflag:$0x3] =	sbarrier.arrive $0xFFFF;
	s2 =	simm.s32 @!p0 $0x1C01  }
0x51: {  	[timem:s3], [sflag:s2] =	dma.local @!p0 [hbm:s0], s1  }
0x52: {  	s0 =	simm.s32 @!p0 $0x1  }
0x53: {  	_ =	swait.ge @!p0 [sflag:s0], s1  }
0x54: {  	s1 =	ssub.s32 @!p0 $0x0, s1;
	[sflag:s0] =	ssyncset.done @!p0 $0x0  }
0x55: {  	[sflag:s0] =	ssyncadd.s32 @!p0 s1  }
0x56: {  	[bflag:$0x3] =	sbarrier.arrive $0xFFFF  }
0x57: {  	_ =	shalt  }

// kernel: kernel.9.cloned.1.call-start
scs
__scs_entry_jumppad:
0x0: {  	(pc) =	sbr.rel $0x88, $3  }
0x1: {  	(tag) =	ssettag $0x0;
	lr =	simm.s32 $0x1  }
0x2: {  	[smem:$0x3F95] =	sst lr;
	_ =	strace $0xD0000000  }
0x3: {  	_ = 	snop  }
0x4: {  	_ = 	snop  }
0x5: {  	_ = 	snop  }
0x6: {  	_ = 	snop  }
0x7: {  	_ = 	snop  }
__scs_overlays_trampoline_lowered:
0x8: {  	[smem:$0x3FA4] =	sst s0  }
0x9: {  	[smem:$0x3FA5] =	sst s1  }
0xa: {  	[smem:$0x3FA6] =	sst s2  }
0xb: {  	[smem:$0x3FA7] =	sst s3  }
0xc: {  	[smem:$0x3FA8] =	sst s4  }
0xd: {  	[smem:$0x3FA9] =	sst s5  }
0xe: {  	[smem:$0x3FAA] =	sst s6  }
0xf: {  	[smem:$0x3FAB] =	sst s7  }
0x10: {  	[smem:$0x3FAC] =	sst s8  }
0x11: {  	[smem:$0x3FAD] =	sst s9;
	s0 =	simm.s32 @!p0 $0x0  }
0x12: {  	s1 =	sld [smem:$0x3F93];
	s0 =	simm.s32 @p0 $0x1  }
0x13: {  	[smem:$0x3FAE] =	sst s0;
	s0 =	simm.s32 @!p1 $0x0  }
0x14: {  	s2 =	sld [smem:$0x3F92];
	s0 =	simm.s32 @p1 $0x1  }
0x15: {  	[smem:$0x3FAF] =	sst s0;
	s0 =	simm.s32 @!p2 $0x0  }
0x16: {  	s3 =	sld [smem:$0x3FDB];
	s0 =	simm.s32 @p2 $0x1  }
0x17: {  	s4 =	simm.s32 $0x1BF5;
	[smem:$0x3FB1] =	sst s0  }
0x18: {  	s0 =	sld [smem:$0x3F94];
	_ =	swait.ge [sflag:s4], $0x0  }
0x19: {  	s7 =	sld [smem:$0x3F95]  }
0x1a: {  	s8 =	sadd.s32 $0xFFFFE003, lr  }
0x1b: {  	s9 =	sadd.s32 $0xFFFFFEF7, lr;
	s5 =	simm.s32 $0xFFFFFFFF;
	p2 =	slt.u32 s8, $0xFFFFF086  }
0x1c: {  	p1 =	slt.u32 s9, $0xF7A;
	s5 =	simm.s32 @!p2 $0x0  }
0x1d: {  	s5 =	simm.s32 @p1 $0x1;
	p0 =	seq.s32 s7, s2  }
0x1e: {  	s7 =	smul.u32 @!p0 $0xF7A, s2;
	p2 =	seq.s32 @!p0 s5, $0x0  }
0x1f: {  	s9 =	smul.u32 $0xF7A, s1;
	s8 =	simm.s32 @!p0 $0x1BF5;
	p2 =	por !p2, p0  }
0x20: {  	[sflag:s8] =	ssyncset.s32 @!p0 $0xFFFFF086;
	s6 =	sadd.s32 @!p0 s3, s7;
	s7 =	simm.s32 @!p0 $0x108  }
0x21: {  	s3 =	sadd.s32 s3, s9;
	s6 =	sadd.s32 @!p0 $0x88, s6;
	s7 =	simm.s32 @p2 $0x1082  }
0x22: {  	[simem:s7], [sflag:s8] =	dma.local @!p0 [hbm:s6], $0xF7A  }
0x23: {  	s9 =	sor.u32 $0xD0000000, s2;
	s6 =	simm.s32 $0x108;
	_ =	swait.ge @!p0 [sflag:s8], $0x0  }
0x24: {  	s3 =	sadd.s32 $0x88, s3;
	s6 =	simm.s32 @!p1 $0x1082;
	[sflag:s4] =	ssyncset.s32 $0xFFFFF086  }
0x25: {  	[simem:s6], [sflag:s4] =	dma.local [hbm:s3], $0xF7A  }
0x26: {  	[smem:$0x3F95] =	sst s1;
	(tag) =	ssettag s2;
	_ =	strace s9  }
0x27: {  	s1 =	sld [smem:$0x3FA5]  }
0x28: {  	s2 =	sld [smem:$0x3FA6]  }
0x29: {  	s4 =	sld [smem:$0x3FA8]  }
0x2a: {  	p0 =	seq.s32 s5, $0x0;
	s5 =	sld [smem:$0x3FA9]  }
0x2b: {  	s6 =	sld [smem:$0x3FAA]  }
0x2c: {  	s7 =	sld [smem:$0x3FAB]  }
0x2d: {  	s3 =	simm.s32 $0x108;
	s8 =	sld [smem:$0x3FAC]  }
0x2e: {  	s3 =	simm.s32 @!p0 $0x1082;
	s9 =	sld [smem:$0x3FAD]  }
0x2f: {  	lr =	sadd.s32 s0, s3;
	s0 =	sld [smem:$0x3FA4]  }
0x30: {  	s3 =	sld [smem:$0x3FA7]  }
0x31: {  	[smem:$0x3FB0] =	sst s10  }
0x32: {  	s10 =	sld [smem:$0x3FAE];
	_ =	sdelay $0x3  }
0x33: {  	p0 =	seq.s32 s10, $0x1;
	s10 =	sld [smem:$0x3FB0];
	_ =	sdelay $0x3  }
0x34: {  	[smem:$0x3FB0] =	sst s10  }
0x35: {  	s10 =	sld [smem:$0x3FAF];
	_ =	sdelay $0x3  }
0x36: {  	p1 =	seq.s32 s10, $0x1;
	s10 =	sld [smem:$0x3FB0];
	_ =	sdelay $0x3  }
0x37: {  	[smem:$0x3FB0] =	sst s10  }
0x38: {  	s10 =	sld [smem:$0x3FB1]  }
0x39: {  	_ = 	snop;
	(pc) =	sbr.ind lr, $3  }
0x3a: {  	_ = 	snop  }
0x3b: {  	_ = 	snop  }
0x3c: {  	p2 =	seq.s32 s10, $0x1;
	s10 =	sld [smem:$0x3FB0]  }
0x3d: {  	_ =	shalt  }
0x3e: {  	_ =	shalt  }
0x3f: {  	_ =	shalt  }
0x40: {  	_ =	shalt  }
0x41: {  	_ =	shalt  }
0x42: {  	_ =	shalt  }
0x43: {  	_ =	shalt  }
0x44: {  	_ =	shalt  }
0x45: {  	_ =	shalt  }
0x46: {  	_ =	shalt  }
0x47: {  	_ =	shalt  }
0x48: {  	_ =	shalt  }
0x49: {  	_ =	shalt  }
0x4a: {  	_ =	shalt  }
0x4b: {  	_ =	shalt  }
0x4c: {  	_ =	shalt  }
0x4d: {  	_ =	shalt  }
0x4e: {  	_ =	shalt  }
0x4f: {  	_ =	shalt  }
0x50: {  	_ =	shalt  }
0x51: {  	_ =	shalt  }
0x52: {  	_ =	shalt  }
0x53: {  	_ =	shalt  }
0x54: {  	_ =	shalt  }
0x55: {  	_ =	shalt  }
0x56: {  	_ =	shalt  }
0x57: {  	_ =	shalt  }
0x58: {  	_ =	shalt  }
0x59: {  	_ =	shalt  }
0x5a: {  	_ =	shalt  }
0x5b: {  	_ =	shalt  }
0x5c: {  	_ =	shalt  }
0x5d: {  	_ =	shalt  }
0x5e: {  	_ =	shalt  }
0x5f: {  	_ =	shalt  }
0x60: {  	_ =	shalt  }
0x61: {  	_ =	shalt  }
0x62: {  	_ =	shalt  }
0x63: {  	_ =	shalt  }
0x64: {  	_ =	shalt  }
0x65: {  	_ =	shalt  }
0x66: {  	_ =	shalt  }
0x67: {  	_ =	shalt  }
0x68: {  	_ =	shalt  }
0x69: {  	_ =	shalt  }
0x6a: {  	_ =	shalt  }
0x6b: {  	_ =	shalt  }
0x6c: {  	_ =	shalt  }
0x6d: {  	_ =	shalt  }
0x6e: {  	_ =	shalt  }
0x6f: {  	_ =	shalt  }
0x70: {  	_ =	shalt  }
0x71: {  	_ =	shalt  }
0x72: {  	_ =	shalt  }
0x73: {  	_ =	shalt  }
0x74: {  	_ =	shalt  }
0x75: {  	_ =	shalt  }
0x76: {  	_ =	shalt  }
0x77: {  	_ =	shalt  }
0x78: {  	_ =	shalt  }
0x79: {  	_ =	shalt  }
0x7a: {  	_ =	shalt  }
0x7b: {  	_ =	shalt  }
0x7c: {  	_ =	shalt  }
0x7d: {  	_ =	shalt  }
0x7e: {  	_ =	shalt  }
0x7f: {  	_ =	shalt  }
0x80: {  	_ =	shalt  }
0x81: {  	_ =	shalt  }
0x82: {  	_ =	shalt  }
0x83: {  	_ =	shalt  }
0x84: {  	_ =	shalt  }
0x85: {  	_ =	shalt  }
0x86: {  	_ =	shalt  }
0x87: {  	_ =	shalt  }
.Lfunc_end0:
.L_simem_size_0:
called_computation_lowered:
.L_overlay_start_0:
0x88: {  	s2 =	sld [smem:$0x3FD9]  }
0x89: {  	s3 =	sld [smem:$0x3FFE];
	_ =	sdelay $0x1  }
0x8a: {  	s1 =	srdreg.scid  }
0x8b: {  	s0 =	sand.u32 $0x1, s1  }
0x8c: {  	s17 =	sshll.u32 s0, $0xA;
	s2 =	sadd.s32 s3, s2  }
0x8d: {  	s2 =	sadd.s32 s2, s17  }
0x8e: {  	[smem:$0x3FBC] =	sst s2  }
0x8f: {  	_ = 	snop  }
0x90: {  	s2 =	sld [smem:$0x3FD0];
	(tm) =	ssettm $0x1  }
0x91: {  	s18 =	sld [smem:$0x3FFB];
	_ =	sdelay $0x3  }
0x92: {  	_ =	strace s18  }
0x93: {  	s3 =	sld [smem:$0x3FFC];
	_ =	sdelay $0x3  }
0x94: {  	_ =	strace s3  }
0x95: {  	s3 =	sld [smem:$0x3FFD];
	_ =	sdelay $0x3  }
0x96: {  	_ =	strace s3  }
0x97: {  	_ =	strace $0x8FFFFFFF  }
0x98: {  	s19 =	sld [smem:$0x3FDB];
	_ =	sdelay $0x1  }
0x99: {  	s4 =	simm.s32 $_scs_section_size  }
0x9a: {  	s5 =	simm.s32 $_size__tile_overlayer_lowered;
	s6 =	simm.s32 $_tile_overlayer_lowered  }
0x9b: {  	s22 =	simm.s32 $0x1BFF;
	s21 =	sshll.u32 s6, $0x1;
	s3 =	sadd.s32 s4, s19  }
0x9c: {  	s7 =	simm.s32 $0x0;
	s20 =	sshll.u32 s5, $0x1;
	s5 =	sadd.s32 s21, s3  }
0x9d: {  	[timem:s7], [sflag:s22] =	dma.local [hbm:s5], s20  }
0x9e: {  	_ =	swait.ge [sflag:s22], s20  }
0x9f: {  	s4 =	ssub.s32 $0x0, s20;
	[sflag:s22] =	ssyncset.done $0x0  }
0xa0: {  	[sflag:s22] =	ssyncadd.s32 s4;
	_ =	sdelay $0x1  }
0xa1: {  	s23 =	simm.s32 $0x1B8B  }
0xa2: {  	_ =	swait.ge [sflag:s23], $0x1  }
0xa3: {  	[sflag:s23] =	ssyncset.done $0x0  }
0xa4: {  	s25 =	simm.s32 $0x1B8E;
	s24 =	sld [smem:$0x3FFE];
	[sflag:s23] =	ssyncadd.s32 $0xFFFFFFFF  }
0xa5: {  	s26 =	simm.s32 $execute0_lowered;
	[smem:$0x3FD2] =	sst s25  }
0xa6: {  	s5 =	sshll.u32 s26, $0x1;
	_ =	strace $0x80000046;
	[dreg:$0x1] =	wrdreg $0xFFFFFFFF  }
0xa7: {  	s28 =	simm.s32 $_size_execute0_lowered;
	s3 =	sadd.s32 s3, s5;
	[dreg:$0x0] =	wrdreg $0x0  }
0xa8: {  	s5 =	sshll.u32 s28, $0x1;
	[dreg:$0x2] =	wrdreg s3  }
0xa9: {  	[dreg:$0x3] =	wrdreg s5  }
0xaa: {  	[dreg:$0x4] =	wrdreg $0xC0  }
0xab: {  	_ =	task [dreg:s7], $0x5FFFF  }
0xac: {  	[dreg:$0x1] =	wrdreg $0xFFFFFFFF  }
0xad: {  	[dreg:$0x0] =	wrdreg $0x60  }
0xae: {  	[dreg:$0x2] =	wrdreg s24  }
0xaf: {  	[dreg:$0x3] =	wrdreg s2  }
0xb0: {  	[dreg:$0x4] =	wrdreg $0x90000  }
0xb1: {  	[dreg:$0x5] =	wrdreg $0x9  }
0xb2: {  	_ =	task.clear_ibuf [dreg:s7], $0x6FFFF;
	_ =	strace $0x90000046  }
0xb3: {  	s29 =	simm.s32 $0x9;
	_ =	strace $0x80000048  }
0xb4: {  	_ =	swait.ge [sflag:s29], $0x1  }
0xb5: {  	[sflag:s29] =	ssyncadd.s32 $0xFFFFFFFF  }
0xb6: {  	_ =	strace $0x90000048  }
0xb7: {  	_ =	sfence  }
0xb8: {  	s30 =	sld [smem:$0x0];
	_ =	sdelay $0x2  }
0xb9: {  	s31 =	sshll.u32 s1, $0xD;
	s1 =	sshrl.u32 s1, $0x2  }
0xba: {  	s3 =	sand.u32 $0x4000, s31;
	s1 =	sadd.s32 s1, s30  }
0xbb: {  	s0 =	sor.u32 s3, s0;
	s1 =	sshll.u32 s1, $0x11  }
0xbc: {  	s0 =	sor.u32 s1, s0  }
0xbd: {  	s0 =	sadd.s32 $0x8F2B, s0  }
0xbe: {  	[sflag:s0] =	ssyncadd.remote.s32 $0x1  }
0xbf: {  	_ =	sfence.sel $0xFFFF  }
0xc0: {  	[dreg:$0x0] =	wrdreg $0xFFFFFFFF;
	(pc) =	sbr.abs _section_cstart, $3  }
0xc1: {  	[dreg:$0x1] =	wrdreg $0xFFFFFFFF  }
0xc2: {  	_ =	task.clear_ibuf [dreg:s7], $0x2FFFF;
	_ =	strace $0x9FFFFFFF  }
0xc3: {  	(tm) =	ssettm $0x7FFFFFFF  }
tec
execute0_lowered:
.L_overlay_start_1:
0x0: {  	(tag) =	ssettag $0x1  }
0x1: {  	s6 =	rddreg [dreg:$0x0]  }
0x2: {  	s7 =	rddreg [dreg:$0x1];
	s1 =	srdreg.scid  }
0x3: {  	s0 =	stileid.u32;
	s2 =	rddreg [dreg:$0x2];
	s3 =	simm.s32 $0x0  }
0x4: {  	s16 =	simm.s32 $0x2800;
	s17 =	simm.s32 $0x7D;
	s18 =	simm.s32 $0x5000  }
0x5: {  	s19 =	simm.s32 $0x0;
	s5 =	sand.u32 $0x1, s1;
	s9 =	smul.u32 $0x2780, s0  }
0x6: {  	s4 =	sshll.u32 s0, $0x1;
	s1 =	rddreg [dreg:$0x3];
	s12 =	smul.u32 $0x4F000, s0  }
0x7: {  	[smem:$0x7FF] =	sst s3;
	s13 =	sadd.s32 $0x5B000, s6;
	s30 =	smul.u32 $0x13C00, s0  }
0x8: {  	p0 =	seq.s32 s0, $0xF;
	s4 =	sor.u32 s5, s4;
	s29 =	smul.u32 $0x138800, s5  }
0x9: {  	_ =	strace $0x80000047;
	s11 =	ssub.s32 $0x2, s5;
	s8 =	smul.u32 $0x500, s4  }
0xa: {  	s4 =	sadd.s32 $0xCC00, s6;
	s14 =	sshrl.u32 s11, $0x1;
	s12 =	sshrl.u32 s12, $0x2  }
0xb: {  	s9 =	sadd.s32 s9, s6;
	s11 =	ssub.s32 s11, s14;
	s15 =	sadd.s32 s12, s2  }
0xc: {  	s5 =	sadd.s32 $0x33E00, s9;
	s12 =	sadd.s32 $0x128400, s2;
	s9 =	sadd.s32 s30, s29  }
0xd: {  	s31 =	sshrl.u32 s29, $0x3;
	s10 =	sadd.s32 s8, s6;
	s6 =	sadd.s32 $0x58E80, s6  }
0xe: {  	s7 =	sadd.s32 s7, s8;
	s9 =	sshrl.u32 s9, $0x3;
	s11 =	smax.u32 s11, $0x1  }
0xf: {  	s12 =	sshrl.u32 @p0 s12, $0x3;
	s14 =	sshrl.u32 @!p0 s15, $0x3;
	s8 =	sadd.s32 $0x2C00, s10  }
0x10: {  	s10 =	sadd.s32 s13, s31;
	s9 =	sadd.s32 s13, s9;
	s13 =	sshll.u32 @!p0 s0, $0x6  }
0x11: {  	s15 =	simm.s32 $0x1;
	s10 =	sadd.s32 $0x25080, s10;
	s13 =	sor.u32 @!p0 $0x1C01, s13  }
.LBB2_1:
0x12: {  	s20 =	simm.s32 @p0 $0x1FC1  }
0x13: {  	[spmem:s12], [sflag:s20] =	dma.local @p0 [hbm:s6], $0x2080  }
0x14: {  	s20 =	simm.s32 @p0 $0x1  }
0x15: {  	_ =	swait.ge @p0 [sflag:s20], $0x2080  }
0x16: {  	[sflag:s20] =	ssyncset.done @p0 $0x0  }
0x17: {  	[sflag:s20] =	ssyncadd.s32 @p0 $0xFFFFDF80;
	s20 =	simm.s32 @!p0 $0x1  }
0x18: {  	[spmem:s14], [sflag:s13] =	dma.local @!p0 [hbm:s5], $0x2780  }
0x19: {  	_ =	swait.ge @!p0 [sflag:s20], $0x2780  }
0x1a: {  	[sflag:s20] =	ssyncset.done @!p0 $0x0  }
0x1b: {  	[sflag:s20] =	ssyncadd.s32 @!p0 $0xFFFFD880  }
0x1c: {  	[tilespmem:s3], [sflag:$0x1] =	stream.linear.gather [hbm4b:s7+s3], $0x2800, $0x38;
	[tilespmem:$0x1C880] =	vst v63  }
0x1d: {  	_ =	swait.ge [sflag:s15], $0x2800  }
0x1e: {  	[sflag:s15] =	ssyncset.done $0x0  }
0x1f: {  	[sflag:s15] =	ssyncadd.s32 $0xFFFFD800  }
0x20: {  	[tilespmem:s16], [sflag:$0x1] =	stream.linear.gather [hbm4b:s8+s3], $0x2800, $0x38;
	[tilespmem:$0x1C880] =	vst v63  }
0x21: {  	_ =	swait.ge [sflag:s15], $0x2800  }
0x22: {  	[sflag:s15] =	ssyncset.done $0x0  }
0x23: {  	[sflag:s15] =	ssyncadd.s32 $0xFFFFD800  }
0x24: {  	s30 =	simm.s32 $0x0;
	[bflag:$0x0] =	sbarrier.arrive $0xFFFF  }
0x25: {  	[tilespmem:s18], [sflag:$0x1] =	stream.indirect.gather [hbm4b:s4+s17], $0x80, s30, s17, $0xb8;
	[tilespmem:$0x1C880] =	vst v63  }
0x26: {  	_ =	swait.ge [sflag:s15], $0x3E80  }
0x27: {  	[sflag:s15] =	ssyncset.done $0x0  }
0x28: {  	s31 =	simm.s32 $0x2800;
	[sflag:s15] =	ssyncadd.s32 $0xFFFFC180  }
0x29: {  	[spmem:s2] =	stream.indirect.scatter.add.f32 [tilespmem:s18], [sflag:$0x1], $0x80, s31, s17, $0xb8;
	[tilespmem:$0x1C880] =	vst v63  }
0x2a: {  	_ =	swait.ge [sflag:s15], $0x3E80  }
0x2b: {  	s21 =	simm.s32 $0x400;
	s20 =	simm.s32 $0x200;
	[sflag:s15] =	ssyncset.done $0x0  }
.LBB2_2:
0x2c: {  	s22 =	sshra.s32 s20, $0x2  }
0x2d: {  	[sflag:s15] =	ssyncadd.s32 $0xFFFFC180;
	s20 =	smov.u32 s21;
	s23 =	sadd.s32 $0x200, s21  }
0x2e: {  	[tilespmem:s18], [sflag:$0x1] =	stream.indirect.gather [hbm4b:s4+s17], $0x80, s22, s17, $0xb8;
	[tilespmem:$0x1C880] =	vst v63  }
0x2f: {  	p1 =	sne.s32 s21, $0x9E00;
	_ =	swait.ge [sflag:s15], $0x3E80  }
.Ltmp0:
0x30: {  	[sflag:s15] =	ssyncset.done $0x0;
	(pc) =	sbr.rel @p1 .LBB2_2-.Ltmp0, $4  }
0x31: {  	s21 =	sadd.s32 $0x2800, s22;
	[sflag:s15] =	ssyncadd.s32 $0xFFFFC180  }
0x32: {  	[spmem:s2] =	stream.indirect.scatter.add.f32 [tilespmem:s18], [sflag:$0x1], $0x80, s21, s17, $0xb8;
	[tilespmem:$0x1C880] =	vst v63  }
0x33: {  	_ =	swait.ge [sflag:s15], $0x3E80  }
0x34: {  	s21 =	smov.u32 s23;
	[sflag:s15] =	ssyncset.done $0x0  }
0x35: {  	s20 =	sshra.s32 s20, $0x2;
	[sflag:s15] =	ssyncadd.s32 $0xFFFFC180  }
0x36: {  	[tilespmem:s18], [sflag:$0x1] =	stream.indirect.gather [hbm4b:s4+s17], $0x80, s20, s17, $0xb8;
	[tilespmem:$0x1C880] =	vst v63  }
0x37: {  	_ =	swait.ge [sflag:s15], $0x3E80  }
0x38: {  	[sflag:s15] =	ssyncset.done $0x0  }
0x39: {  	s20 =	sadd.s32 $0x2800, s20;
	[sflag:s15] =	ssyncadd.s32 $0xFFFFC180  }
0x3a: {  	[spmem:s2] =	stream.indirect.scatter.add.f32 [tilespmem:s18], [sflag:$0x1], $0x80, s20, s17, $0xb8;
	[tilespmem:$0x1C880] =	vst v63  }
0x3b: {  	_ =	swait.ge [sflag:s15], $0x3E80  }
0x3c: {  	[sflag:s15] =	ssyncset.done $0x0  }
0x3d: {  	[sflag:s15] =	ssyncadd.s32 $0xFFFFC180  }
0x3e: {  	s20 =	simm.s32 @p0 $0x1FC1;
	[bflag:$0x0] =	sbarrier.arrive $0xFFFF  }
0x3f: {  	[hbm:s10], [sflag:s20] =	dma.local @p0 [spmem:s12], $0x2080  }
0x40: {  	s20 =	simm.s32 @p0 $0x1  }
0x41: {  	s19 =	sadd.s32 $0x1, s19;
	_ =	swait.ge @p0 [sflag:s20], $0x2080  }
0x42: {  	p1 =	sne.s32 s19, s11;
	[sflag:s20] =	ssyncset.done @p0 $0x0  }
.Ltmp1:
0x43: {  	[sflag:s20] =	ssyncadd.s32 @p0 $0xFFFFDF80;
	s20 =	simm.s32 @!p0 $0x1;
	(pc) =	sbr.rel @p1 .LBB2_1-.Ltmp1, $4  }
0x44: {  	[hbm:s9], [sflag:s13] =	dma.local @!p0 [spmem:s14], $0x2780  }
0x45: {  	_ =	swait.ge @!p0 [sflag:s20], $0x2780  }
0x46: {  	[sflag:s20] =	ssyncset.done @!p0 $0x0  }
0x47: {  	[sflag:s20] =	ssyncadd.s32 @!p0 $0xFFFFD880  }
0x48: {  	_ =	sfence.sel $0x180000  }
0x49: {  	[bflag:$0x0] =	sbarrier.arrive $0xFFFF  }
0x4a: {  	p0 =	sne.s32 s0, $0x0;
	_ =	strace $0x90000047  }
0x4b: {  	s0 =	sadd.s32 @!p0 $0x100000, s1;
	[bflag:$0x2] =	sbarrier.arrive $0xFFFF  }
0x4c: {  	[sflag:s0] =	ssyncadd.tile.s32 @!p0 $0x1;
	_ =	shalt  }
.Lfunc_end2:
_tile_overlayer_lowered:
.L_overlay_start_2:
0x4d: {  	(tag) =	ssettag $0x2  }
0x4e: {  	s0 =	rddreg [dreg:$0x0];
	s2 =	stileid.u32  }
0x4f: {  	s1 =	rddreg [dreg:$0x1];
	p0 =	sne.s32 s2, $0x0  }
0x50: {  	s3 =	rddreg [dreg:$0x2];
	[bflag:$0x3] =	sbarrier.arrive $0xFFFF;
	s2 =	simm.s32 @!p0 $0x1C01  }
0x51: {  	[timem:s3], [sflag:s2] =	dma.local @!p0 [hbm:s0], s1  }
0x52: {  	s0 =	simm.s32 @!p0 $0x1  }
0x53: {  	_ =	swait.ge @!p0 [sflag:s0], s1  }
0x54: {  	s1 =	ssub.s32 @!p0 $0x0, s1;
	[sflag:s0] =	ssyncset.done @!p0 $0x0  }
0x55: {  	[sflag:s0] =	ssyncadd.s32 @!p0 s1  }
0x56: {  	[bflag:$0x3] =	sbarrier.arrive $0xFFFF  }
0x57: {  	_ =	shalt  }

</sc_bundles>
